<compile_context>
chip_gen: v7x
topology: tpu7x:2x2x1
jax: 0.10.2.dev20260603
libtpu: 0.0.44.dev20260713+nightly
codegen_flags: <defaults>
</compile_context>

<pallas_src>
import functools

import jax
import jax.numpy as jnp
from jax import lax
from jax.experimental import pallas as pl
from jax.experimental.pallas import tpu as pltpu
from jax.experimental.pallas import tpu_sc as plsc

N = 10000
E = 160000
D_IN = 256
D_H = 256
D_OUT = 128

NC = 2
NS = 16
CHUNK = 128
CH = 40

NP = 10240
ROWS_PER_TILE = NP // NS
DUMMY = N

EPAD = NC * NS * CH * CHUNK


@functools.cache
def _mesh():
    return plsc.VectorSubcoreMesh(
        core_axis_name="c", subcore_axis_name="s",
        num_cores=NC, num_subcores=NS)


@functools.cache
def _make_deg():
    DW = 128

    @functools.partial(
        pl.kernel,
        out_type=jax.ShapeDtypeStruct((NC, NP, DW), jnp.float32),
        mesh=_mesh(),
        scratch_types=[
            pltpu.VMEM((CH, CHUNK), jnp.int32),
            pltpu.VMEM((CHUNK, DW), jnp.float32),
            pltpu.VMEM_SHARED((NP, DW), jnp.float32),
        ],
    )
    def deg_kernel(didx_hbm, zeros_hbm, ones_hbm, out_hbm, dix_v, ones_v,
                   acc_s):
        c = lax.axis_index("c")
        s = lax.axis_index("s")
        pltpu.sync_copy(didx_hbm.at[c, s], dix_v)
        pltpu.sync_copy(ones_hbm, ones_v)

        row0 = s * ROWS_PER_TILE
        pltpu.sync_copy(zeros_hbm, acc_s.at[pl.ds(row0, ROWS_PER_TILE)])

        plsc.subcore_barrier()

        @pl.loop(0, CH)
        def _(j):
            pltpu.sync_copy(ones_v, acc_s.at[dix_v.at[j]], add=True)

        plsc.subcore_barrier()
        pltpu.sync_copy(
            acc_s.at[pl.ds(row0, ROWS_PER_TILE)],
            out_hbm.at[c, pl.ds(row0, ROWS_PER_TILE), :])

    return deg_kernel


@functools.cache
def _make_agg(rows, halves):
    DH = 128

    @functools.partial(
        pl.kernel,
        out_type=jax.ShapeDtypeStruct((NC, NP, DH), jnp.float32),
        mesh=_mesh(),
        scratch_types=[
            pltpu.VMEM((CH + 2, CHUNK), jnp.int32),
            pltpu.VMEM((CH, CHUNK), jnp.int32),
            pltpu.VMEM((CHUNK, DH), jnp.float32),
            pltpu.VMEM((CHUNK, DH), jnp.float32),
            pltpu.VMEM_SHARED((NP, DH), jnp.float32),
            pltpu.SemaphoreType.DMA,
            pltpu.SemaphoreType.DMA,
        ],
    )
    def agg_kernel(hs2_hbm, gidx_hbm, didx_hbm, zeros_hbm, out_hbm,
                   gix_v, dix_v, buf0_v, buf1_v, acc_s, sem0, sem1):
        c = lax.axis_index("c")
        s = lax.axis_index("s")

        row0 = s * ROWS_PER_TILE
        pltpu.sync_copy(zeros_hbm, acc_s.at[pl.ds(row0, ROWS_PER_TILE)])
        plsc.subcore_barrier()

        for h in range(halves):
            pltpu.sync_copy(gidx_hbm.at[c, s, h], gix_v)
            pltpu.sync_copy(didx_hbm.at[c, s, h], dix_v)

            pltpu.async_copy(hs2_hbm.at[gix_v.at[0]], buf0_v, sem0)
            pltpu.async_copy(hs2_hbm.at[gix_v.at[1]], buf1_v, sem1)

            @pl.loop(0, CH, step=2)
            def _(jj):
                for b, buf, sem in ((0, buf0_v, sem0), (1, buf1_v, sem1)):
                    j = jj + b
                    pltpu.make_async_copy(
                        hs2_hbm.at[gix_v.at[j]], buf, sem).wait()
                    pltpu.sync_copy(buf, acc_s.at[dix_v.at[j]], add=True)
                    pltpu.async_copy(hs2_hbm.at[gix_v.at[j + 2]], buf, sem)

            pltpu.make_async_copy(
                hs2_hbm.at[gix_v.at[0]], buf0_v, sem0).wait()
            pltpu.make_async_copy(
                hs2_hbm.at[gix_v.at[1]], buf1_v, sem1).wait()

        plsc.subcore_barrier()
        pltpu.sync_copy(
            acc_s.at[pl.ds(row0, ROWS_PER_TILE)],
            out_hbm.at[c, pl.ds(row0, ROWS_PER_TILE), :])

    return agg_kernel


BM = 512
DEG_W = 128


def _dinv_of(deg_ref):
    d = deg_ref[...]
    deg = d[0, :, :1] + d[1, :, :1] + 1.0
    return lax.rsqrt(deg)


def _halves(ref):
    a = ref[...]
    return jnp.concatenate([a[0], a[1]], axis=1)


def _m1a_body(x_ref, w_ref, u_ref):
    u_ref[...] = jnp.dot(
        x_ref[...], w_ref[...],
        preferred_element_type=jnp.float32, precision=lax.Precision.HIGHEST)


def _m1b_body(u_ref, deg_ref, hs_ref):
    hs_ref[...] = _dinv_of(deg_ref) * u_ref[...]


def _m2_body(agg_ref, hs_ref, deg_ref, w_ref, b_ref, out_ref):
    dinv = _dinv_of(deg_ref)
    h1 = jnp.maximum(dinv * (_halves(agg_ref) + hs_ref[...]) + b_ref[...], 0.0)
    out_ref[...] = dinv * jnp.dot(
        h1, w_ref[...],
        preferred_element_type=jnp.float32, precision=lax.Precision.HIGHEST)


def _e3_body(agg_ref, hs2_ref, deg_ref, b_ref, out_ref):
    a = agg_ref[...]
    out_ref[...] = (_dinv_of(deg_ref) * (a[0] + a[1] + hs2_ref[...])
                    + b_ref[...])


def _row_spec(d):
    return pl.BlockSpec((BM, d), lambda i: (i, 0))


def _sc_spec(d):
    return pl.BlockSpec((NC, BM, d), lambda i: (0, i, 0))


def _full_spec(r, d):
    return pl.BlockSpec((r, d), lambda i: (0, 0))


def _m1a(x, W1):
    return pl.pallas_call(
        _m1a_body,
        grid=(NP // BM,),
        in_specs=[_row_spec(D_IN), _full_spec(D_IN, D_H)],
        out_specs=_row_spec(D_H),
        out_shape=jax.ShapeDtypeStruct((NP, D_H), jnp.float32),
    )(x, W1)


def _m1b(u, degs):
    return pl.pallas_call(
        _m1b_body,
        grid=(NP // BM,),
        in_specs=[_row_spec(D_H), _sc_spec(DEG_W)],
        out_specs=_row_spec(D_H),
        out_shape=jax.ShapeDtypeStruct((NP, D_H), jnp.float32),
    )(u, degs)


def _m2(agg1, hs, degs, W2, b1):
    return pl.pallas_call(
        _m2_body,
        grid=(NP // BM,),
        in_specs=[_sc_spec(D_H // 2), _row_spec(D_H), _sc_spec(DEG_W),
                  _full_spec(D_H, D_OUT), _full_spec(1, D_H)],
        out_specs=_row_spec(D_OUT),
        out_shape=jax.ShapeDtypeStruct((NP, D_OUT), jnp.float32),
    )(agg1, hs, degs, W2, b1)


def _e3(agg2, hs2, degs, b2):
    return pl.pallas_call(
        _e3_body,
        grid=(NP // BM,),
        in_specs=[_sc_spec(D_OUT), _row_spec(D_OUT), _sc_spec(DEG_W),
                  _full_spec(1, D_OUT)],
        out_specs=_row_spec(D_OUT),
        out_shape=jax.ShapeDtypeStruct((NP, D_OUT), jnp.float32),
    )(agg2, hs2, degs, b2)


def _with_tails(a):
    return jnp.concatenate([a, a[..., :2, :]], axis=-2)


def kernel(x, edge_index, W1, b1, W2, b2):
    src = edge_index[0].astype(jnp.int32)
    dst = edge_index[1].astype(jnp.int32)

    xp = jnp.concatenate(
        [x, jnp.zeros((NP - N, D_IN), jnp.float32)], axis=0)

    pad = EPAD - E
    pad_i = jnp.arange(pad, dtype=jnp.int32)
    srcp = jnp.concatenate([src, pad_i % N])
    dstp = jnp.concatenate([dst, DUMMY + pad_i % (NP - N)])

    g2 = srcp * 2
    a1 = jnp.stack([g2, g2 + 1]).reshape(NC, NS, 2, CH, CHUNK)
    gidx1 = _with_tails(a1)
    d1 = dstp.reshape(NS, 2, CH, CHUNK)
    didx1 = jnp.stack([d1, d1])

    gidx2 = _with_tails(srcp.reshape(NC, NS, 1, CH, CHUNK))
    didx2 = dstp.reshape(NC, NS, 1, CH, CHUNK)

    zeros_w = jnp.zeros((ROWS_PER_TILE, 128), jnp.float32)
    ones_d = jnp.ones((CHUNK, 128), jnp.float32)

    degs = _make_deg()(didx2.reshape(NC, NS, CH, CHUNK), zeros_w, ones_d)
    u = _m1a(xp, W1)
    hs = _m1b(u, degs)
    agg1 = _make_agg(2 * NP, 2)(
        hs.reshape(2 * NP, D_H // 2), gidx1, didx1, zeros_w)
    hs2 = _m2(agg1, hs, degs, W2, b1.reshape(1, D_H))
    agg2 = _make_agg(NP, 1)(hs2, gidx2, didx2, zeros_w)
    out = _e3(agg2, hs2, degs, b2.reshape(1, D_OUT))
    return out[:N]

# --- scband reference (transcript-rebuilt; emitter-appended) ---
"""Pipeline reference for scband-gcnencoder-37735582663086 (READ-ONLY COPY).

The authoritative reference and input builder live on the scoring server;
editing this copy changes nothing except your own understanding.
"""

import jax, jax.numpy as jnp
import numpy as np

N = 10000
E = 160000
D_IN = 256
D_H = 256
D_OUT = 128


def setup_inputs(seed: int = 0) -> dict:
    key = jax.random.key(seed)
    k1, k2, k3, k4, k5, k6 = jax.random.split(key, 6)
    x = jax.random.normal(k1, (N, D_IN), dtype=jnp.float32)
    edge_index = jax.random.randint(k2, (2, E), 0, N, dtype=jnp.int32)
    # GCNConv weights (glorot-ish init) and biases
    W1 = jax.random.normal(k3, (D_IN, D_H), dtype=jnp.float32) * (1.0 / np.sqrt(D_IN))
    b1 = jnp.zeros((D_H,), dtype=jnp.float32)
    W2 = jax.random.normal(k4, (D_H, D_OUT), dtype=jnp.float32) * (1.0 / np.sqrt(D_H))
    b2 = jnp.zeros((D_OUT,), dtype=jnp.float32)
    return {"x": x, "edge_index": edge_index, "W1": W1, "b1": b1, "W2": W2, "b2": b2}


def _gcn_conv(h, src, dst, W, b, n_nodes):
    # x' = D^{-1/2} (A + I) D^{-1/2} x W + b  (self loops already appended to src/dst)
    h = h @ W
    deg = jnp.zeros((n_nodes,), dtype=h.dtype).at[dst].add(1.0)
    deg_inv_sqrt = jnp.where(deg > 0, 1.0 / jnp.sqrt(deg), 0.0)
    norm = deg_inv_sqrt[src] * deg_inv_sqrt[dst]
    msg = h[src] * norm[:, None]
    out = jnp.zeros((n_nodes, h.shape[1]), dtype=h.dtype).at[dst].add(msg)
    return out + b


def reference(x, edge_index, W1, b1, W2, b2):
    loop = jnp.arange(N, dtype=edge_index.dtype)
    src = jnp.concatenate([edge_index[0], loop])
    dst = jnp.concatenate([edge_index[1], loop])
    h = jax.nn.relu(_gcn_conv(x, src, dst, W1, b1, N))
    out = _gcn_conv(h, src, dst, W2, b2, N)
    return out

if __name__ == "__main__":
    import jax
    _d = setup_inputs()
    print(jax.jit(kernel)(*tuple(_d.values())))

</pallas_src>

<mosaic_0001>
#map = affine_map<(d0, d1) -> (0, 0)>
#map1 = affine_map<(d0, d1) -> (0, 0, 0, 0, 0)>
#map2 = affine_map<(d0, d1) -> (0, 0, 0)>
module attributes {stable_mosaic.version = 14 : i64} {
  func.func @agg_kernel(%arg0: i32, %arg1: i32, %arg2: memref<10240x128xf32, #tpu.memory_space<hbm>>, %arg3: memref<2x16x1x42x128xi32, #tpu.memory_space<hbm>>, %arg4: memref<2x16x1x40x128xi32, #tpu.memory_space<hbm>>, %arg5: memref<640x128xf32, #tpu.memory_space<hbm>>, %arg6: memref<2x10240x128xf32, #tpu.memory_space<hbm>>, %arg7: memref<42x128xi32, #tpu.memory_space<vmem>>, %arg8: memref<40x128xi32, #tpu.memory_space<vmem>>, %arg9: memref<128x128xf32, #tpu.memory_space<vmem>>, %arg10: memref<128x128xf32, #tpu.memory_space<vmem>>, %arg11: memref<10240x128xf32, #tpu.memory_space<vmem_shared>>, %arg12: memref<!tpu.dma_semaphore, #tpu.memory_space<semaphore_mem>>, %arg13: memref<!tpu.dma_semaphore, #tpu.memory_space<semaphore_mem>>) attributes {dimension_semantics = [#tpu.dimension_semantics<core_parallel>, #tpu.dimension_semantics<subcore_parallel>], iteration_bounds = array<i64: 2, 16>, scalar_prefetch = 0 : i64, scratch_operands = 7 : i64, tpu.core_type = #tpu.core_type<sc_vector_subcore>, window_params = [{transform_indices = #map}, {transform_indices = #map1}, {transform_indices = #map1}, {transform_indices = #map}, {transform_indices = #map2}]} {
    %mul3A = arith.constant 640 : i32
    %mul3A_0 = arith.muli %arg1, %mul3A : i32
    "tpu.region"() ({
      %run_scoped3A_33 = tpu.sem_alloc : memref<!tpu.dma_semaphore, #tpu.memory_space<semaphore_mem>>
      %dma_start3A_34 = arith.constant 0 : i32
      %dma_start3A_35 = tpu.memref_slice %arg11[%mul3A_0, %dma_start3A_34] : memref<10240x128xf32, #tpu.memory_space<vmem_shared>> -> memref<640x128xf32, #tpu.memory_space<vmem_shared>>
      tpu.enqueue_dma source(%arg5 : memref<640x128xf32, #tpu.memory_space<hbm>>) target(%dma_start3A_35 : memref<640x128xf32, #tpu.memory_space<vmem_shared>>) target_semaphore(%run_scoped3A_33 : memref<!tpu.dma_semaphore, #tpu.memory_space<semaphore_mem>>)
      %dma_wait3A_36 = arith.constant 0 : i32
      %dma_wait3A_37 = tpu.memref_slice %arg11[%mul3A_0, %dma_wait3A_36] : memref<10240x128xf32, #tpu.memory_space<vmem_shared>> -> memref<640x128xf32, #tpu.memory_space<vmem_shared>>
      tpu.wait_dma2 semaphore(%run_scoped3A_33 : memref<!tpu.dma_semaphore, #tpu.memory_space<semaphore_mem>>) src(%arg5 : memref<640x128xf32, #tpu.memory_space<hbm>>) dst(%dma_wait3A_37 : memref<640x128xf32, #tpu.memory_space<vmem_shared>>)
      tpu.yield
    }) : () -> ()
    %barrier3A = arith.constant 0 : index
    tpu.barrier barrier_id(%barrier3A)
    %run_scoped3A = arith.constant 0 : i32
    "tpu.region"() ({
      %run_scoped3A_33 = tpu.sem_alloc : memref<!tpu.dma_semaphore, #tpu.memory_space<semaphore_mem>>
      %dma_start3A_34 = arith.constant 0 : i32
      %dma_start3A_35 = arith.constant 0 : i32
      %dma_start3A_36 = tpu.memref_slice %arg3[%arg0, %arg1, %run_scoped3A, %dma_start3A_34, %dma_start3A_35] : memref<2x16x1x42x128xi32, #tpu.memory_space<hbm>> -> memref<1x1x1x42x128xi32, #tpu.memory_space<hbm>>
      %dma_start3A_37 = tpu.memref_squeeze %dma_start3A_36 : memref<1x1x1x42x128xi32, #tpu.memory_space<hbm>> -> memref<42x128xi32, #tpu.memory_space<hbm>>
      %dma_start3A_38 = arith.constant 0 : i32
      %dma_start3A_39 = arith.constant 0 : i32
      %dma_start3A_40 = tpu.memref_slice %arg3[%arg0, %arg1, %run_scoped3A, %dma_start3A_38, %dma_start3A_39] : memref<2x16x1x42x128xi32, #tpu.memory_space<hbm>> -> memref<1x1x1x42x128xi32, #tpu.memory_space<hbm>>
      %dma_start3A_41 = tpu.memref_squeeze %dma_start3A_40 : memref<1x1x1x42x128xi32, #tpu.memory_space<hbm>> -> memref<42x128xi32, #tpu.memory_space<hbm>>
      tpu.enqueue_dma source(%dma_start3A_41 : memref<42x128xi32, #tpu.memory_space<hbm>>) target(%arg7 : memref<42x128xi32, #tpu.memory_space<vmem>>) target_semaphore(%run_scoped3A_33 : memref<!tpu.dma_semaphore, #tpu.memory_space<semaphore_mem>>)
      %dma_wait3A_42 = arith.constant 0 : i32
      %dma_wait3A_43 = arith.constant 0 : i32
      %dma_wait3A_44 = tpu.memref_slice %arg3[%arg0, %arg1, %run_scoped3A, %dma_wait3A_42, %dma_wait3A_43] : memref<2x16x1x42x128xi32, #tpu.memory_space<hbm>> -> memref<1x1x1x42x128xi32, #tpu.memory_space<hbm>>
      %dma_wait3A_45 = tpu.memref_squeeze %dma_wait3A_44 : memref<1x1x1x42x128xi32, #tpu.memory_space<hbm>> -> memref<42x128xi32, #tpu.memory_space<hbm>>
      %dma_wait3A_46 = arith.constant 0 : i32
      %dma_wait3A_47 = arith.constant 0 : i32
      %dma_wait3A_48 = tpu.memref_slice %arg3[%arg0, %arg1, %run_scoped3A, %dma_wait3A_46, %dma_wait3A_47] : memref<2x16x1x42x128xi32, #tpu.memory_space<hbm>> -> memref<1x1x1x42x128xi32, #tpu.memory_space<hbm>>
      %dma_wait3A_49 = tpu.memref_squeeze %dma_wait3A_48 : memref<1x1x1x42x128xi32, #tpu.memory_space<hbm>> -> memref<42x128xi32, #tpu.memory_space<hbm>>
      tpu.wait_dma2 semaphore(%run_scoped3A_33 : memref<!tpu.dma_semaphore, #tpu.memory_space<semaphore_mem>>) src(%dma_wait3A_49 : memref<42x128xi32, #tpu.memory_space<hbm>>) dst(%arg7 : memref<42x128xi32, #tpu.memory_space<vmem>>)
      tpu.yield
    }) : () -> ()
    %run_scoped3A_1 = arith.constant 0 : i32
    "tpu.region"() ({
      %run_scoped3A_33 = tpu.sem_alloc : memref<!tpu.dma_semaphore, #tpu.memory_space<semaphore_mem>>
      %dma_start3A_34 = arith.constant 0 : i32
      %dma_start3A_35 = arith.constant 0 : i32
      %dma_start3A_36 = tpu.memref_slice %arg4[%arg0, %arg1, %run_scoped3A_1, %dma_start3A_34, %dma_start3A_35] : memref<2x16x1x40x128xi32, #tpu.memory_space<hbm>> -> memref<1x1x1x40x128xi32, #tpu.memory_space<hbm>>
      %dma_start3A_37 = tpu.memref_squeeze %dma_start3A_36 : memref<1x1x1x40x128xi32, #tpu.memory_space<hbm>> -> memref<40x128xi32, #tpu.memory_space<hbm>>
      %dma_start3A_38 = arith.constant 0 : i32
      %dma_start3A_39 = arith.constant 0 : i32
      %dma_start3A_40 = tpu.memref_slice %arg4[%arg0, %arg1, %run_scoped3A_1, %dma_start3A_38, %dma_start3A_39] : memref<2x16x1x40x128xi32, #tpu.memory_space<hbm>> -> memref<1x1x1x40x128xi32, #tpu.memory_space<hbm>>
      %dma_start3A_41 = tpu.memref_squeeze %dma_start3A_40 : memref<1x1x1x40x128xi32, #tpu.memory_space<hbm>> -> memref<40x128xi32, #tpu.memory_space<hbm>>
      tpu.enqueue_dma source(%dma_start3A_41 : memref<40x128xi32, #tpu.memory_space<hbm>>) target(%arg8 : memref<40x128xi32, #tpu.memory_space<vmem>>) target_semaphore(%run_scoped3A_33 : memref<!tpu.dma_semaphore, #tpu.memory_space<semaphore_mem>>)
      %dma_wait3A_42 = arith.constant 0 : i32
      %dma_wait3A_43 = arith.constant 0 : i32
      %dma_wait3A_44 = tpu.memref_slice %arg4[%arg0, %arg1, %run_scoped3A_1, %dma_wait3A_42, %dma_wait3A_43] : memref<2x16x1x40x128xi32, #tpu.memory_space<hbm>> -> memref<1x1x1x40x128xi32, #tpu.memory_space<hbm>>
      %dma_wait3A_45 = tpu.memref_squeeze %dma_wait3A_44 : memref<1x1x1x40x128xi32, #tpu.memory_space<hbm>> -> memref<40x128xi32, #tpu.memory_space<hbm>>
      %dma_wait3A_46 = arith.constant 0 : i32
      %dma_wait3A_47 = arith.constant 0 : i32
      %dma_wait3A_48 = tpu.memref_slice %arg4[%arg0, %arg1, %run_scoped3A_1, %dma_wait3A_46, %dma_wait3A_47] : memref<2x16x1x40x128xi32, #tpu.memory_space<hbm>> -> memref<1x1x1x40x128xi32, #tpu.memory_space<hbm>>
      %dma_wait3A_49 = tpu.memref_squeeze %dma_wait3A_48 : memref<1x1x1x40x128xi32, #tpu.memory_space<hbm>> -> memref<40x128xi32, #tpu.memory_space<hbm>>
      tpu.wait_dma2 semaphore(%run_scoped3A_33 : memref<!tpu.dma_semaphore, #tpu.memory_space<semaphore_mem>>) src(%dma_wait3A_49 : memref<40x128xi32, #tpu.memory_space<hbm>>) dst(%arg8 : memref<40x128xi32, #tpu.memory_space<vmem>>)
      tpu.yield
    }) : () -> ()
    %dma_start3A = arith.constant 0 : i32
    %dma_start3A_2 = arith.constant 0 : i32
    %dma_start3A_3 = tpu.memref_slice %arg7[%dma_start3A, %dma_start3A_2] : memref<42x128xi32, #tpu.memory_space<vmem>> -> memref<1x128xi32, #tpu.memory_space<vmem>>
    %dma_start3A_4 = tpu.memref_squeeze %dma_start3A_3 : memref<1x128xi32, #tpu.memory_space<vmem>> -> memref<128xi32, #tpu.memory_space<vmem>>
    %dma_start3A_5 = arith.constant 0 : i32
    %dma_start3A_6 = arith.constant 0 : i32
    %dma_start3A_7 = tpu.memref_slice %arg2[%dma_start3A_5, %dma_start3A_6] : memref<10240x128xf32, #tpu.memory_space<hbm>> -> memref<10240x128xf32, #tpu.memory_space<hbm>>
    tpu.enqueue_indirect_dma source(%dma_start3A_7 : memref<10240x128xf32, #tpu.memory_space<hbm>>) target(%arg9 : memref<128x128xf32, #tpu.memory_space<vmem>>) offsets(%dma_start3A_4 : memref<128xi32, #tpu.memory_space<vmem>>) semaphore(%arg12 : memref<!tpu.dma_semaphore, #tpu.memory_space<semaphore_mem>>)
    %dma_start3A_8 = arith.constant 1 : i32
    %dma_start3A_9 = arith.constant 0 : i32
    %dma_start3A_10 = tpu.memref_slice %arg7[%dma_start3A_8, %dma_start3A_9] : memref<42x128xi32, #tpu.memory_space<vmem>> -> memref<1x128xi32, #tpu.memory_space<vmem>>
    %dma_start3A_11 = tpu.memref_squeeze %dma_start3A_10 : memref<1x128xi32, #tpu.memory_space<vmem>> -> memref<128xi32, #tpu.memory_space<vmem>>
    %dma_start3A_12 = arith.constant 0 : i32
    %dma_start3A_13 = arith.constant 0 : i32
    %dma_start3A_14 = tpu.memref_slice %arg2[%dma_start3A_12, %dma_start3A_13] : memref<10240x128xf32, #tpu.memory_space<hbm>> -> memref<10240x128xf32, #tpu.memory_space<hbm>>
    tpu.enqueue_indirect_dma source(%dma_start3A_14 : memref<10240x128xf32, #tpu.memory_space<hbm>>) target(%arg10 : memref<128x128xf32, #tpu.memory_space<vmem>>) offsets(%dma_start3A_11 : memref<128xi32, #tpu.memory_space<vmem>>) semaphore(%arg13 : memref<!tpu.dma_semaphore, #tpu.memory_space<semaphore_mem>>)
    %scan3A = arith.constant 0 : i32
    %scan3A_15 = arith.constant 20 : i32
    %scan3A_16 = arith.addi %scan3A, %scan3A_15 : i32
    %scan3A_17 = arith.constant 1 : i32
    scf.for %scan3A_33 = %scan3A to %scan3A_16 step %scan3A_17  : i32 {
      %mul3A_34 = arith.constant 2 : i32
      %mul3A_35 = arith.muli %scan3A_33, %mul3A_34 : i32
      %add3A = arith.constant 0 : i32
      %add3A_36 = arith.addi %add3A, %mul3A_35 : i32
      %add3A_37 = arith.constant 0 : i32
      %add3A_38 = arith.addi %add3A_36, %add3A_37 : i32
      %dma_wait3A_39 = arith.constant 0 : i32
      %dma_wait3A_40 = tpu.memref_slice %arg7[%add3A_38, %dma_wait3A_39] : memref<42x128xi32, #tpu.memory_space<vmem>> -> memref<1x128xi32, #tpu.memory_space<vmem>>
      %dma_wait3A_41 = tpu.memref_squeeze %dma_wait3A_40 : memref<1x128xi32, #tpu.memory_space<vmem>> -> memref<128xi32, #tpu.memory_space<vmem>>
      %dma_wait3A_42 = arith.constant 0 : i32
      %dma_wait3A_43 = arith.constant 0 : i32
      %dma_wait3A_44 = tpu.memref_slice %arg2[%dma_wait3A_42, %dma_wait3A_43] : memref<10240x128xf32, #tpu.memory_space<hbm>> -> memref<10240x128xf32, #tpu.memory_space<hbm>>
      tpu.wait_indirect_dma semaphore(%arg12 : memref<!tpu.dma_semaphore, #tpu.memory_space<semaphore_mem>>) src(%dma_wait3A_44 : memref<10240x128xf32, #tpu.memory_space<hbm>>) dst(%arg9 : memref<128x128xf32, #tpu.memory_space<vmem>>)
      "tpu.region"() ({
        %run_scoped3A_69 = tpu.sem_alloc : memref<!tpu.dma_semaphore, #tpu.memory_space<semaphore_mem>>
        %dma_start3A_70 = arith.constant 0 : i32
        %dma_start3A_71 = tpu.memref_slice %arg8[%add3A_38, %dma_start3A_70] : memref<40x128xi32, #tpu.memory_space<vmem>> -> memref<1x128xi32, #tpu.memory_space<vmem>>
        %dma_start3A_72 = tpu.memref_squeeze %dma_start3A_71 : memref<1x128xi32, #tpu.memory_space<vmem>> -> memref<128xi32, #tpu.memory_space<vmem>>
        %dma_start3A_73 = arith.constant 0 : i32
        %dma_start3A_74 = arith.constant 0 : i32
        %dma_start3A_75 = tpu.memref_slice %arg11[%dma_start3A_73, %dma_start3A_74] : memref<10240x128xf32, #tpu.memory_space<vmem_shared>> -> memref<10240x128xf32, #tpu.memory_space<vmem_shared>>
        tpu.enqueue_indirect_dma source(%arg9 : memref<128x128xf32, #tpu.memory_space<vmem>>) target(%dma_start3A_75 : memref<10240x128xf32, #tpu.memory_space<vmem_shared>>) offsets(%dma_start3A_72 : memref<128xi32, #tpu.memory_space<vmem>>) semaphore(%run_scoped3A_69 : memref<!tpu.dma_semaphore, #tpu.memory_space<semaphore_mem>>) {add = true}
        %dma_wait3A_76 = arith.constant 0 : i32
        %dma_wait3A_77 = tpu.memref_slice %arg8[%add3A_38, %dma_wait3A_76] : memref<40x128xi32, #tpu.memory_space<vmem>> -> memref<1x128xi32, #tpu.memory_space<vmem>>
        %dma_wait3A_78 = tpu.memref_squeeze %dma_wait3A_77 : memref<1x128xi32, #tpu.memory_space<vmem>> -> memref<128xi32, #tpu.memory_space<vmem>>
        %dma_wait3A_79 = arith.constant 0 : i32
        %dma_wait3A_80 = arith.constant 0 : i32
        %dma_wait3A_81 = tpu.memref_slice %arg11[%dma_wait3A_79, %dma_wait3A_80] : memref<10240x128xf32, #tpu.memory_space<vmem_shared>> -> memref<10240x128xf32, #tpu.memory_space<vmem_shared>>
        tpu.wait_indirect_dma semaphore(%run_scoped3A_69 : memref<!tpu.dma_semaphore, #tpu.memory_space<semaphore_mem>>) src(%arg9 : memref<128x128xf32, #tpu.memory_space<vmem>>) dst(%dma_wait3A_81 : memref<10240x128xf32, #tpu.memory_space<vmem_shared>>)
        tpu.yield
      }) : () -> ()
      %add3A_45 = arith.constant 2 : i32
      %add3A_46 = arith.addi %add3A_38, %add3A_45 : i32
      %dma_start3A_47 = arith.constant 0 : i32
      %dma_start3A_48 = tpu.memref_slice %arg7[%add3A_46, %dma_start3A_47] : memref<42x128xi32, #tpu.memory_space<vmem>> -> memref<1x128xi32, #tpu.memory_space<vmem>>
      %dma_start3A_49 = tpu.memref_squeeze %dma_start3A_48 : memref<1x128xi32, #tpu.memory_space<vmem>> -> memref<128xi32, #tpu.memory_space<vmem>>
      %dma_start3A_50 = arith.constant 0 : i32
      %dma_start3A_51 = arith.constant 0 : i32
      %dma_start3A_52 = tpu.memref_slice %arg2[%dma_start3A_50, %dma_start3A_51] : memref<10240x128xf32, #tpu.memory_space<hbm>> -> memref<10240x128xf32, #tpu.memory_space<hbm>>
      tpu.enqueue_indirect_dma source(%dma_start3A_52 : memref<10240x128xf32, #tpu.memory_space<hbm>>) target(%arg9 : memref<128x128xf32, #tpu.memory_space<vmem>>) offsets(%dma_start3A_49 : memref<128xi32, #tpu.memory_space<vmem>>) semaphore(%arg12 : memref<!tpu.dma_semaphore, #tpu.memory_space<semaphore_mem>>)
      %add3A_53 = arith.constant 1 : i32
      %add3A_54 = arith.addi %add3A_36, %add3A_53 : i32
      %dma_wait3A_55 = arith.constant 0 : i32
      %dma_wait3A_56 = tpu.memref_slice %arg7[%add3A_54, %dma_wait3A_55] : memref<42x128xi32, #tpu.memory_space<vmem>> -> memref<1x128xi32, #tpu.memory_space<vmem>>
      %dma_wait3A_57 = tpu.memref_squeeze %dma_wait3A_56 : memref<1x128xi32, #tpu.memory_space<vmem>> -> memref<128xi32, #tpu.memory_space<vmem>>
      %dma_wait3A_58 = arith.constant 0 : i32
      %dma_wait3A_59 = arith.constant 0 : i32
      %dma_wait3A_60 = tpu.memref_slice %arg2[%dma_wait3A_58, %dma_wait3A_59] : memref<10240x128xf32, #tpu.memory_space<hbm>> -> memref<10240x128xf32, #tpu.memory_space<hbm>>
      tpu.wait_indirect_dma semaphore(%arg13 : memref<!tpu.dma_semaphore, #tpu.memory_space<semaphore_mem>>) src(%dma_wait3A_60 : memref<10240x128xf32, #tpu.memory_space<hbm>>) dst(%arg10 : memref<128x128xf32, #tpu.memory_space<vmem>>)
      "tpu.region"() ({
        %run_scoped3A_69 = tpu.sem_alloc : memref<!tpu.dma_semaphore, #tpu.memory_space<semaphore_mem>>
        %dma_start3A_70 = arith.constant 0 : i32
        %dma_start3A_71 = tpu.memref_slice %arg8[%add3A_54, %dma_start3A_70] : memref<40x128xi32, #tpu.memory_space<vmem>> -> memref<1x128xi32, #tpu.memory_space<vmem>>
        %dma_start3A_72 = tpu.memref_squeeze %dma_start3A_71 : memref<1x128xi32, #tpu.memory_space<vmem>> -> memref<128xi32, #tpu.memory_space<vmem>>
        %dma_start3A_73 = arith.constant 0 : i32
        %dma_start3A_74 = arith.constant 0 : i32
        %dma_start3A_75 = tpu.memref_slice %arg11[%dma_start3A_73, %dma_start3A_74] : memref<10240x128xf32, #tpu.memory_space<vmem_shared>> -> memref<10240x128xf32, #tpu.memory_space<vmem_shared>>
        tpu.enqueue_indirect_dma source(%arg10 : memref<128x128xf32, #tpu.memory_space<vmem>>) target(%dma_start3A_75 : memref<10240x128xf32, #tpu.memory_space<vmem_shared>>) offsets(%dma_start3A_72 : memref<128xi32, #tpu.memory_space<vmem>>) semaphore(%run_scoped3A_69 : memref<!tpu.dma_semaphore, #tpu.memory_space<semaphore_mem>>) {add = true}
        %dma_wait3A_76 = arith.constant 0 : i32
        %dma_wait3A_77 = tpu.memref_slice %arg8[%add3A_54, %dma_wait3A_76] : memref<40x128xi32, #tpu.memory_space<vmem>> -> memref<1x128xi32, #tpu.memory_space<vmem>>
        %dma_wait3A_78 = tpu.memref_squeeze %dma_wait3A_77 : memref<1x128xi32, #tpu.memory_space<vmem>> -> memref<128xi32, #tpu.memory_space<vmem>>
        %dma_wait3A_79 = arith.constant 0 : i32
        %dma_wait3A_80 = arith.constant 0 : i32
        %dma_wait3A_81 = tpu.memref_slice %arg11[%dma_wait3A_79, %dma_wait3A_80] : memref<10240x128xf32, #tpu.memory_space<vmem_shared>> -> memref<10240x128xf32, #tpu.memory_space<vmem_shared>>
        tpu.wait_indirect_dma semaphore(%run_scoped3A_69 : memref<!tpu.dma_semaphore, #tpu.memory_space<semaphore_mem>>) src(%arg10 : memref<128x128xf32, #tpu.memory_space<vmem>>) dst(%dma_wait3A_81 : memref<10240x128xf32, #tpu.memory_space<vmem_shared>>)
        tpu.yield
      }) : () -> ()
      %add3A_61 = arith.constant 2 : i32
      %add3A_62 = arith.addi %add3A_54, %add3A_61 : i32
      %dma_start3A_63 = arith.constant 0 : i32
      %dma_start3A_64 = tpu.memref_slice %arg7[%add3A_62, %dma_start3A_63] : memref<42x128xi32, #tpu.memory_space<vmem>> -> memref<1x128xi32, #tpu.memory_space<vmem>>
      %dma_start3A_65 = tpu.memref_squeeze %dma_start3A_64 : memref<1x128xi32, #tpu.memory_space<vmem>> -> memref<128xi32, #tpu.memory_space<vmem>>
      %dma_start3A_66 = arith.constant 0 : i32
      %dma_start3A_67 = arith.constant 0 : i32
      %dma_start3A_68 = tpu.memref_slice %arg2[%dma_start3A_66, %dma_start3A_67] : memref<10240x128xf32, #tpu.memory_space<hbm>> -> memref<10240x128xf32, #tpu.memory_space<hbm>>
      tpu.enqueue_indirect_dma source(%dma_start3A_68 : memref<10240x128xf32, #tpu.memory_space<hbm>>) target(%arg10 : memref<128x128xf32, #tpu.memory_space<vmem>>) offsets(%dma_start3A_65 : memref<128xi32, #tpu.memory_space<vmem>>) semaphore(%arg13 : memref<!tpu.dma_semaphore, #tpu.memory_space<semaphore_mem>>)
    }
    %scan3A_18 = arith.constant 20 : i32
    %dma_wait3A = arith.constant 0 : i32
    %dma_wait3A_19 = arith.constant 0 : i32
    %dma_wait3A_20 = tpu.memref_slice %arg7[%dma_wait3A, %dma_wait3A_19] : memref<42x128xi32, #tpu.memory_space<vmem>> -> memref<1x128xi32, #tpu.memory_space<vmem>>
    %dma_wait3A_21 = tpu.memref_squeeze %dma_wait3A_20 : memref<1x128xi32, #tpu.memory_space<vmem>> -> memref<128xi32, #tpu.memory_space<vmem>>
    %dma_wait3A_22 = arith.constant 0 : i32
    %dma_wait3A_23 = arith.constant 0 : i32
    %dma_wait3A_24 = tpu.memref_slice %arg2[%dma_wait3A_22, %dma_wait3A_23] : memref<10240x128xf32, #tpu.memory_space<hbm>> -> memref<10240x128xf32, #tpu.memory_space<hbm>>
    tpu.wait_indirect_dma semaphore(%arg12 : memref<!tpu.dma_semaphore, #tpu.memory_space<semaphore_mem>>) src(%dma_wait3A_24 : memref<10240x128xf32, #tpu.memory_space<hbm>>) dst(%arg9 : memref<128x128xf32, #tpu.memory_space<vmem>>)
    %dma_wait3A_25 = arith.constant 1 : i32
    %dma_wait3A_26 = arith.constant 0 : i32
    %dma_wait3A_27 = tpu.memref_slice %arg7[%dma_wait3A_25, %dma_wait3A_26] : memref<42x128xi32, #tpu.memory_space<vmem>> -> memref<1x128xi32, #tpu.memory_space<vmem>>
    %dma_wait3A_28 = tpu.memref_squeeze %dma_wait3A_27 : memref<1x128xi32, #tpu.memory_space<vmem>> -> memref<128xi32, #tpu.memory_space<vmem>>
    %dma_wait3A_29 = arith.constant 0 : i32
    %dma_wait3A_30 = arith.constant 0 : i32
    %dma_wait3A_31 = tpu.memref_slice %arg2[%dma_wait3A_29, %dma_wait3A_30] : memref<10240x128xf32, #tpu.memory_space<hbm>> -> memref<10240x128xf32, #tpu.memory_space<hbm>>
    tpu.wait_indirect_dma semaphore(%arg13 : memref<!tpu.dma_semaphore, #tpu.memory_space<semaphore_mem>>) src(%dma_wait3A_31 : memref<10240x128xf32, #tpu.memory_space<hbm>>) dst(%arg10 : memref<128x128xf32, #tpu.memory_space<vmem>>)
    %barrier3A_32 = arith.constant 0 : index
    tpu.barrier barrier_id(%barrier3A_32)
    "tpu.region"() ({
      %run_scoped3A_33 = tpu.sem_alloc : memref<!tpu.dma_semaphore, #tpu.memory_space<semaphore_mem>>
      %dma_start3A_34 = arith.constant 0 : i32
      %dma_start3A_35 = tpu.memref_slice %arg6[%arg0, %mul3A_0, %dma_start3A_34] : memref<2x10240x128xf32, #tpu.memory_space<hbm>> -> memref<1x640x128xf32, #tpu.memory_space<hbm>>
      %dma_start3A_36 = tpu.memref_squeeze %dma_start3A_35 : memref<1x640x128xf32, #tpu.memory_space<hbm>> -> memref<640x128xf32, #tpu.memory_space<hbm>>
      %dma_start3A_37 = arith.constant 0 : i32
      %dma_start3A_38 = tpu.memref_slice %arg11[%mul3A_0, %dma_start3A_37] : memref<10240x128xf32, #tpu.memory_space<vmem_shared>> -> memref<640x128xf32, #tpu.memory_space<vmem_shared>>
      tpu.enqueue_dma source(%dma_start3A_38 : memref<640x128xf32, #tpu.memory_space<vmem_shared>>) target(%dma_start3A_36 : memref<640x128xf32, #tpu.memory_space<hbm>>) target_semaphore(%run_scoped3A_33 : memref<!tpu.dma_semaphore, #tpu.memory_space<semaphore_mem>>)
      %dma_wait3A_39 = arith.constant 0 : i32
      %dma_wait3A_40 = tpu.memref_slice %arg6[%arg0, %mul3A_0, %dma_wait3A_39] : memref<2x10240x128xf32, #tpu.memory_space<hbm>> -> memref<1x640x128xf32, #tpu.memory_space<hbm>>
      %dma_wait3A_41 = tpu.memref_squeeze %dma_wait3A_40 : memref<1x640x128xf32, #tpu.memory_space<hbm>> -> memref<640x128xf32, #tpu.memory_space<hbm>>
      %dma_wait3A_42 = arith.constant 0 : i32
      %dma_wait3A_43 = tpu.memref_slice %arg11[%mul3A_0, %dma_wait3A_42] : memref<10240x128xf32, #tpu.memory_space<vmem_shared>> -> memref<640x128xf32, #tpu.memory_space<vmem_shared>>
      tpu.wait_dma2 semaphore(%run_scoped3A_33 : memref<!tpu.dma_semaphore, #tpu.memory_space<semaphore_mem>>) src(%dma_wait3A_43 : memref<640x128xf32, #tpu.memory_space<vmem_shared>>) dst(%dma_wait3A_41 : memref<640x128xf32, #tpu.memory_space<hbm>>)
      tpu.yield
    }) : () -> ()
    return
  }
}

#map = affine_map<(d0, d1) -> (0, 0, 0, 0)>
#map1 = affine_map<(d0, d1) -> (0, 0)>
#map2 = affine_map<(d0, d1) -> (0, 0, 0)>
module attributes {stable_mosaic.version = 14 : i64} {
  func.func @deg_kernel(%arg0: i32, %arg1: i32, %arg2: memref<2x16x40x128xi32, #tpu.memory_space<hbm>>, %arg3: memref<640x128xf32, #tpu.memory_space<hbm>>, %arg4: memref<128x128xf32, #tpu.memory_space<hbm>>, %arg5: memref<2x10240x128xf32, #tpu.memory_space<hbm>>, %arg6: memref<40x128xi32, #tpu.memory_space<vmem>>, %arg7: memref<128x128xf32, #tpu.memory_space<vmem>>, %arg8: memref<10240x128xf32, #tpu.memory_space<vmem_shared>>) attributes {dimension_semantics = [#tpu.dimension_semantics<core_parallel>, #tpu.dimension_semantics<subcore_parallel>], iteration_bounds = array<i64: 2, 16>, scalar_prefetch = 0 : i64, scratch_operands = 3 : i64, tpu.core_type = #tpu.core_type<sc_vector_subcore>, window_params = [{transform_indices = #map}, {transform_indices = #map1}, {transform_indices = #map1}, {transform_indices = #map2}]} {
    "tpu.region"() ({
      %run_scoped3A = tpu.sem_alloc : memref<!tpu.dma_semaphore, #tpu.memory_space<semaphore_mem>>
      %dma_start3A = arith.constant 0 : i32
      %dma_start3A_6 = arith.constant 0 : i32
      %dma_start3A_7 = tpu.memref_slice %arg2[%arg0, %arg1, %dma_start3A, %dma_start3A_6] : memref<2x16x40x128xi32, #tpu.memory_space<hbm>> -> memref<1x1x40x128xi32, #tpu.memory_space<hbm>>
      %dma_start3A_8 = tpu.memref_squeeze %dma_start3A_7 : memref<1x1x40x128xi32, #tpu.memory_space<hbm>> -> memref<40x128xi32, #tpu.memory_space<hbm>>
      %dma_start3A_9 = arith.constant 0 : i32
      %dma_start3A_10 = arith.constant 0 : i32
      %dma_start3A_11 = tpu.memref_slice %arg2[%arg0, %arg1, %dma_start3A_9, %dma_start3A_10] : memref<2x16x40x128xi32, #tpu.memory_space<hbm>> -> memref<1x1x40x128xi32, #tpu.memory_space<hbm>>
      %dma_start3A_12 = tpu.memref_squeeze %dma_start3A_11 : memref<1x1x40x128xi32, #tpu.memory_space<hbm>> -> memref<40x128xi32, #tpu.memory_space<hbm>>
      tpu.enqueue_dma source(%dma_start3A_12 : memref<40x128xi32, #tpu.memory_space<hbm>>) target(%arg6 : memref<40x128xi32, #tpu.memory_space<vmem>>) target_semaphore(%run_scoped3A : memref<!tpu.dma_semaphore, #tpu.memory_space<semaphore_mem>>)
      %dma_wait3A = arith.constant 0 : i32
      %dma_wait3A_13 = arith.constant 0 : i32
      %dma_wait3A_14 = tpu.memref_slice %arg2[%arg0, %arg1, %dma_wait3A, %dma_wait3A_13] : memref<2x16x40x128xi32, #tpu.memory_space<hbm>> -> memref<1x1x40x128xi32, #tpu.memory_space<hbm>>
      %dma_wait3A_15 = tpu.memref_squeeze %dma_wait3A_14 : memref<1x1x40x128xi32, #tpu.memory_space<hbm>> -> memref<40x128xi32, #tpu.memory_space<hbm>>
      %dma_wait3A_16 = arith.constant 0 : i32
      %dma_wait3A_17 = arith.constant 0 : i32
      %dma_wait3A_18 = tpu.memref_slice %arg2[%arg0, %arg1, %dma_wait3A_16, %dma_wait3A_17] : memref<2x16x40x128xi32, #tpu.memory_space<hbm>> -> memref<1x1x40x128xi32, #tpu.memory_space<hbm>>
      %dma_wait3A_19 = tpu.memref_squeeze %dma_wait3A_18 : memref<1x1x40x128xi32, #tpu.memory_space<hbm>> -> memref<40x128xi32, #tpu.memory_space<hbm>>
      tpu.wait_dma2 semaphore(%run_scoped3A : memref<!tpu.dma_semaphore, #tpu.memory_space<semaphore_mem>>) src(%dma_wait3A_19 : memref<40x128xi32, #tpu.memory_space<hbm>>) dst(%arg6 : memref<40x128xi32, #tpu.memory_space<vmem>>)
      tpu.yield
    }) : () -> ()
    "tpu.region"() ({
      %run_scoped3A = tpu.sem_alloc : memref<!tpu.dma_semaphore, #tpu.memory_space<semaphore_mem>>
      tpu.enqueue_dma source(%arg4 : memref<128x128xf32, #tpu.memory_space<hbm>>) target(%arg7 : memref<128x128xf32, #tpu.memory_space<vmem>>) target_semaphore(%run_scoped3A : memref<!tpu.dma_semaphore, #tpu.memory_space<semaphore_mem>>)
      tpu.wait_dma2 semaphore(%run_scoped3A : memref<!tpu.dma_semaphore, #tpu.memory_space<semaphore_mem>>) src(%arg4 : memref<128x128xf32, #tpu.memory_space<hbm>>) dst(%arg7 : memref<128x128xf32, #tpu.memory_space<vmem>>)
      tpu.yield
    }) : () -> ()
    %mul3A = arith.constant 640 : i32
    %mul3A_0 = arith.muli %arg1, %mul3A : i32
    "tpu.region"() ({
      %run_scoped3A = tpu.sem_alloc : memref<!tpu.dma_semaphore, #tpu.memory_space<semaphore_mem>>
      %dma_start3A = arith.constant 0 : i32
      %dma_start3A_6 = tpu.memref_slice %arg8[%mul3A_0, %dma_start3A] : memref<10240x128xf32, #tpu.memory_space<vmem_shared>> -> memref<640x128xf32, #tpu.memory_space<vmem_shared>>
      tpu.enqueue_dma source(%arg3 : memref<640x128xf32, #tpu.memory_space<hbm>>) target(%dma_start3A_6 : memref<640x128xf32, #tpu.memory_space<vmem_shared>>) target_semaphore(%run_scoped3A : memref<!tpu.dma_semaphore, #tpu.memory_space<semaphore_mem>>)
      %dma_wait3A = arith.constant 0 : i32
      %dma_wait3A_7 = tpu.memref_slice %arg8[%mul3A_0, %dma_wait3A] : memref<10240x128xf32, #tpu.memory_space<vmem_shared>> -> memref<640x128xf32, #tpu.memory_space<vmem_shared>>
      tpu.wait_dma2 semaphore(%run_scoped3A : memref<!tpu.dma_semaphore, #tpu.memory_space<semaphore_mem>>) src(%arg3 : memref<640x128xf32, #tpu.memory_space<hbm>>) dst(%dma_wait3A_7 : memref<640x128xf32, #tpu.memory_space<vmem_shared>>)
      tpu.yield
    }) : () -> ()
    %barrier3A = arith.constant 0 : index
    tpu.barrier barrier_id(%barrier3A)
    %scan3A = arith.constant 0 : i32
    %scan3A_1 = arith.constant 40 : i32
    %scan3A_2 = arith.addi %scan3A, %scan3A_1 : i32
    %scan3A_3 = arith.constant 1 : i32
    scf.for %scan3A_6 = %scan3A to %scan3A_2 step %scan3A_3  : i32 {
      %mul3A_7 = arith.constant 1 : i32
      %mul3A_8 = arith.muli %scan3A_6, %mul3A_7 : i32
      %add3A = arith.constant 0 : i32
      %add3A_9 = arith.addi %add3A, %mul3A_8 : i32
      "tpu.region"() ({
        %run_scoped3A = tpu.sem_alloc : memref<!tpu.dma_semaphore, #tpu.memory_space<semaphore_mem>>
        %dma_start3A = arith.constant 0 : i32
        %dma_start3A_10 = tpu.memref_slice %arg6[%add3A_9, %dma_start3A] : memref<40x128xi32, #tpu.memory_space<vmem>> -> memref<1x128xi32, #tpu.memory_space<vmem>>
        %dma_start3A_11 = tpu.memref_squeeze %dma_start3A_10 : memref<1x128xi32, #tpu.memory_space<vmem>> -> memref<128xi32, #tpu.memory_space<vmem>>
        %dma_start3A_12 = arith.constant 0 : i32
        %dma_start3A_13 = arith.constant 0 : i32
        %dma_start3A_14 = tpu.memref_slice %arg8[%dma_start3A_12, %dma_start3A_13] : memref<10240x128xf32, #tpu.memory_space<vmem_shared>> -> memref<10240x128xf32, #tpu.memory_space<vmem_shared>>
        tpu.enqueue_indirect_dma source(%arg7 : memref<128x128xf32, #tpu.memory_space<vmem>>) target(%dma_start3A_14 : memref<10240x128xf32, #tpu.memory_space<vmem_shared>>) offsets(%dma_start3A_11 : memref<128xi32, #tpu.memory_space<vmem>>) semaphore(%run_scoped3A : memref<!tpu.dma_semaphore, #tpu.memory_space<semaphore_mem>>) {add = true}
        %dma_wait3A = arith.constant 0 : i32
        %dma_wait3A_15 = tpu.memref_slice %arg6[%add3A_9, %dma_wait3A] : memref<40x128xi32, #tpu.memory_space<vmem>> -> memref<1x128xi32, #tpu.memory_space<vmem>>
        %dma_wait3A_16 = tpu.memref_squeeze %dma_wait3A_15 : memref<1x128xi32, #tpu.memory_space<vmem>> -> memref<128xi32, #tpu.memory_space<vmem>>
        %dma_wait3A_17 = arith.constant 0 : i32
        %dma_wait3A_18 = arith.constant 0 : i32
        %dma_wait3A_19 = tpu.memref_slice %arg8[%dma_wait3A_17, %dma_wait3A_18] : memref<10240x128xf32, #tpu.memory_space<vmem_shared>> -> memref<10240x128xf32, #tpu.memory_space<vmem_shared>>
        tpu.wait_indirect_dma semaphore(%run_scoped3A : memref<!tpu.dma_semaphore, #tpu.memory_space<semaphore_mem>>) src(%arg7 : memref<128x128xf32, #tpu.memory_space<vmem>>) dst(%dma_wait3A_19 : memref<10240x128xf32, #tpu.memory_space<vmem_shared>>)
        tpu.yield
      }) : () -> ()
    }
    %scan3A_4 = arith.constant 40 : i32
    %barrier3A_5 = arith.constant 0 : index
    tpu.barrier barrier_id(%barrier3A_5)
    "tpu.region"() ({
      %run_scoped3A = tpu.sem_alloc : memref<!tpu.dma_semaphore, #tpu.memory_space<semaphore_mem>>
      %dma_start3A = arith.constant 0 : i32
      %dma_start3A_6 = tpu.memref_slice %arg5[%arg0, %mul3A_0, %dma_start3A] : memref<2x10240x128xf32, #tpu.memory_space<hbm>> -> memref<1x640x128xf32, #tpu.memory_space<hbm>>
      %dma_start3A_7 = tpu.memref_squeeze %dma_start3A_6 : memref<1x640x128xf32, #tpu.memory_space<hbm>> -> memref<640x128xf32, #tpu.memory_space<hbm>>
      %dma_start3A_8 = arith.constant 0 : i32
      %dma_start3A_9 = tpu.memref_slice %arg8[%mul3A_0, %dma_start3A_8] : memref<10240x128xf32, #tpu.memory_space<vmem_shared>> -> memref<640x128xf32, #tpu.memory_space<vmem_shared>>
      tpu.enqueue_dma source(%dma_start3A_9 : memref<640x128xf32, #tpu.memory_space<vmem_shared>>) target(%dma_start3A_7 : memref<640x128xf32, #tpu.memory_space<hbm>>) target_semaphore(%run_scoped3A : memref<!tpu.dma_semaphore, #tpu.memory_space<semaphore_mem>>)
      %dma_wait3A = arith.constant 0 : i32
      %dma_wait3A_10 = tpu.memref_slice %arg5[%arg0, %mul3A_0, %dma_wait3A] : memref<2x10240x128xf32, #tpu.memory_space<hbm>> -> memref<1x640x128xf32, #tpu.memory_space<hbm>>
      %dma_wait3A_11 = tpu.memref_squeeze %dma_wait3A_10 : memref<1x640x128xf32, #tpu.memory_space<hbm>> -> memref<640x128xf32, #tpu.memory_space<hbm>>
      %dma_wait3A_12 = arith.constant 0 : i32
      %dma_wait3A_13 = tpu.memref_slice %arg8[%mul3A_0, %dma_wait3A_12] : memref<10240x128xf32, #tpu.memory_space<vmem_shared>> -> memref<640x128xf32, #tpu.memory_space<vmem_shared>>
      tpu.wait_dma2 semaphore(%run_scoped3A : memref<!tpu.dma_semaphore, #tpu.memory_space<semaphore_mem>>) src(%dma_wait3A_13 : memref<640x128xf32, #tpu.memory_space<vmem_shared>>) dst(%dma_wait3A_11 : memref<640x128xf32, #tpu.memory_space<hbm>>)
      tpu.yield
    }) : () -> ()
    return
  }
}

#map = affine_map<(d0, d1) -> (0, 0)>
#map1 = affine_map<(d0, d1) -> (0, 0, 0, 0, 0)>
#map2 = affine_map<(d0, d1) -> (0, 0, 0)>
module attributes {stable_mosaic.version = 14 : i64} {
  func.func @agg_kernel(%arg0: i32, %arg1: i32, %arg2: memref<20480x128xf32, #tpu.memory_space<hbm>>, %arg3: memref<2x16x2x42x128xi32, #tpu.memory_space<hbm>>, %arg4: memref<2x16x2x40x128xi32, #tpu.memory_space<hbm>>, %arg5: memref<640x128xf32, #tpu.memory_space<hbm>>, %arg6: memref<2x10240x128xf32, #tpu.memory_space<hbm>>, %arg7: memref<42x128xi32, #tpu.memory_space<vmem>>, %arg8: memref<40x128xi32, #tpu.memory_space<vmem>>, %arg9: memref<128x128xf32, #tpu.memory_space<vmem>>, %arg10: memref<128x128xf32, #tpu.memory_space<vmem>>, %arg11: memref<10240x128xf32, #tpu.memory_space<vmem_shared>>, %arg12: memref<!tpu.dma_semaphore, #tpu.memory_space<semaphore_mem>>, %arg13: memref<!tpu.dma_semaphore, #tpu.memory_space<semaphore_mem>>) attributes {dimension_semantics = [#tpu.dimension_semantics<core_parallel>, #tpu.dimension_semantics<subcore_parallel>], iteration_bounds = array<i64: 2, 16>, scalar_prefetch = 0 : i64, scratch_operands = 7 : i64, tpu.core_type = #tpu.core_type<sc_vector_subcore>, window_params = [{transform_indices = #map}, {transform_indices = #map1}, {transform_indices = #map1}, {transform_indices = #map}, {transform_indices = #map2}]} {
    %mul3A = arith.constant 640 : i32
    %mul3A_0 = arith.muli %arg1, %mul3A : i32
    "tpu.region"() ({
      %run_scoped3A_68 = tpu.sem_alloc : memref<!tpu.dma_semaphore, #tpu.memory_space<semaphore_mem>>
      %dma_start3A_69 = arith.constant 0 : i32
      %dma_start3A_70 = tpu.memref_slice %arg11[%mul3A_0, %dma_start3A_69] : memref<10240x128xf32, #tpu.memory_space<vmem_shared>> -> memref<640x128xf32, #tpu.memory_space<vmem_shared>>
      tpu.enqueue_dma source(%arg5 : memref<640x128xf32, #tpu.memory_space<hbm>>) target(%dma_start3A_70 : memref<640x128xf32, #tpu.memory_space<vmem_shared>>) target_semaphore(%run_scoped3A_68 : memref<!tpu.dma_semaphore, #tpu.memory_space<semaphore_mem>>)
      %dma_wait3A_71 = arith.constant 0 : i32
      %dma_wait3A_72 = tpu.memref_slice %arg11[%mul3A_0, %dma_wait3A_71] : memref<10240x128xf32, #tpu.memory_space<vmem_shared>> -> memref<640x128xf32, #tpu.memory_space<vmem_shared>>
      tpu.wait_dma2 semaphore(%run_scoped3A_68 : memref<!tpu.dma_semaphore, #tpu.memory_space<semaphore_mem>>) src(%arg5 : memref<640x128xf32, #tpu.memory_space<hbm>>) dst(%dma_wait3A_72 : memref<640x128xf32, #tpu.memory_space<vmem_shared>>)
      tpu.yield
    }) : () -> ()
    %barrier3A = arith.constant 0 : index
    tpu.barrier barrier_id(%barrier3A)
    %run_scoped3A = arith.constant 0 : i32
    "tpu.region"() ({
      %run_scoped3A_68 = tpu.sem_alloc : memref<!tpu.dma_semaphore, #tpu.memory_space<semaphore_mem>>
      %dma_start3A_69 = arith.constant 0 : i32
      %dma_start3A_70 = arith.constant 0 : i32
      %dma_start3A_71 = tpu.memref_slice %arg3[%arg0, %arg1, %run_scoped3A, %dma_start3A_69, %dma_start3A_70] : memref<2x16x2x42x128xi32, #tpu.memory_space<hbm>> -> memref<1x1x1x42x128xi32, #tpu.memory_space<hbm>>
      %dma_start3A_72 = tpu.memref_squeeze %dma_start3A_71 : memref<1x1x1x42x128xi32, #tpu.memory_space<hbm>> -> memref<42x128xi32, #tpu.memory_space<hbm>>
      %dma_start3A_73 = arith.constant 0 : i32
      %dma_start3A_74 = arith.constant 0 : i32
      %dma_start3A_75 = tpu.memref_slice %arg3[%arg0, %arg1, %run_scoped3A, %dma_start3A_73, %dma_start3A_74] : memref<2x16x2x42x128xi32, #tpu.memory_space<hbm>> -> memref<1x1x1x42x128xi32, #tpu.memory_space<hbm>>
      %dma_start3A_76 = tpu.memref_squeeze %dma_start3A_75 : memref<1x1x1x42x128xi32, #tpu.memory_space<hbm>> -> memref<42x128xi32, #tpu.memory_space<hbm>>
      tpu.enqueue_dma source(%dma_start3A_76 : memref<42x128xi32, #tpu.memory_space<hbm>>) target(%arg7 : memref<42x128xi32, #tpu.memory_space<vmem>>) target_semaphore(%run_scoped3A_68 : memref<!tpu.dma_semaphore, #tpu.memory_space<semaphore_mem>>)
      %dma_wait3A_77 = arith.constant 0 : i32
      %dma_wait3A_78 = arith.constant 0 : i32
      %dma_wait3A_79 = tpu.memref_slice %arg3[%arg0, %arg1, %run_scoped3A, %dma_wait3A_77, %dma_wait3A_78] : memref<2x16x2x42x128xi32, #tpu.memory_space<hbm>> -> memref<1x1x1x42x128xi32, #tpu.memory_space<hbm>>
      %dma_wait3A_80 = tpu.memref_squeeze %dma_wait3A_79 : memref<1x1x1x42x128xi32, #tpu.memory_space<hbm>> -> memref<42x128xi32, #tpu.memory_space<hbm>>
      %dma_wait3A_81 = arith.constant 0 : i32
      %dma_wait3A_82 = arith.constant 0 : i32
      %dma_wait3A_83 = tpu.memref_slice %arg3[%arg0, %arg1, %run_scoped3A, %dma_wait3A_81, %dma_wait3A_82] : memref<2x16x2x42x128xi32, #tpu.memory_space<hbm>> -> memref<1x1x1x42x128xi32, #tpu.memory_space<hbm>>
      %dma_wait3A_84 = tpu.memref_squeeze %dma_wait3A_83 : memref<1x1x1x42x128xi32, #tpu.memory_space<hbm>> -> memref<42x128xi32, #tpu.memory_space<hbm>>
      tpu.wait_dma2 semaphore(%run_scoped3A_68 : memref<!tpu.dma_semaphore, #tpu.memory_space<semaphore_mem>>) src(%dma_wait3A_84 : memref<42x128xi32, #tpu.memory_space<hbm>>) dst(%arg7 : memref<42x128xi32, #tpu.memory_space<vmem>>)
      tpu.yield
    }) : () -> ()
    %run_scoped3A_1 = arith.constant 0 : i32
    "tpu.region"() ({
      %run_scoped3A_68 = tpu.sem_alloc : memref<!tpu.dma_semaphore, #tpu.memory_space<semaphore_mem>>
      %dma_start3A_69 = arith.constant 0 : i32
      %dma_start3A_70 = arith.constant 0 : i32
      %dma_start3A_71 = tpu.memref_slice %arg4[%arg0, %arg1, %run_scoped3A_1, %dma_start3A_69, %dma_start3A_70] : memref<2x16x2x40x128xi32, #tpu.memory_space<hbm>> -> memref<1x1x1x40x128xi32, #tpu.memory_space<hbm>>
      %dma_start3A_72 = tpu.memref_squeeze %dma_start3A_71 : memref<1x1x1x40x128xi32, #tpu.memory_space<hbm>> -> memref<40x128xi32, #tpu.memory_space<hbm>>
      %dma_start3A_73 = arith.constant 0 : i32
      %dma_start3A_74 = arith.constant 0 : i32
      %dma_start3A_75 = tpu.memref_slice %arg4[%arg0, %arg1, %run_scoped3A_1, %dma_start3A_73, %dma_start3A_74] : memref<2x16x2x40x128xi32, #tpu.memory_space<hbm>> -> memref<1x1x1x40x128xi32, #tpu.memory_space<hbm>>
      %dma_start3A_76 = tpu.memref_squeeze %dma_start3A_75 : memref<1x1x1x40x128xi32, #tpu.memory_space<hbm>> -> memref<40x128xi32, #tpu.memory_space<hbm>>
      tpu.enqueue_dma source(%dma_start3A_76 : memref<40x128xi32, #tpu.memory_space<hbm>>) target(%arg8 : memref<40x128xi32, #tpu.memory_space<vmem>>) target_semaphore(%run_scoped3A_68 : memref<!tpu.dma_semaphore, #tpu.memory_space<semaphore_mem>>)
      %dma_wait3A_77 = arith.constant 0 : i32
      %dma_wait3A_78 = arith.constant 0 : i32
      %dma_wait3A_79 = tpu.memref_slice %arg4[%arg0, %arg1, %run_scoped3A_1, %dma_wait3A_77, %dma_wait3A_78] : memref<2x16x2x40x128xi32, #tpu.memory_space<hbm>> -> memref<1x1x1x40x128xi32, #tpu.memory_space<hbm>>
      %dma_wait3A_80 = tpu.memref_squeeze %dma_wait3A_79 : memref<1x1x1x40x128xi32, #tpu.memory_space<hbm>> -> memref<40x128xi32, #tpu.memory_space<hbm>>
      %dma_wait3A_81 = arith.constant 0 : i32
      %dma_wait3A_82 = arith.constant 0 : i32
      %dma_wait3A_83 = tpu.memref_slice %arg4[%arg0, %arg1, %run_scoped3A_1, %dma_wait3A_81, %dma_wait3A_82] : memref<2x16x2x40x128xi32, #tpu.memory_space<hbm>> -> memref<1x1x1x40x128xi32, #tpu.memory_space<hbm>>
      %dma_wait3A_84 = tpu.memref_squeeze %dma_wait3A_83 : memref<1x1x1x40x128xi32, #tpu.memory_space<hbm>> -> memref<40x128xi32, #tpu.memory_space<hbm>>
      tpu.wait_dma2 semaphore(%run_scoped3A_68 : memref<!tpu.dma_semaphore, #tpu.memory_space<semaphore_mem>>) src(%dma_wait3A_84 : memref<40x128xi32, #tpu.memory_space<hbm>>) dst(%arg8 : memref<40x128xi32, #tpu.memory_space<vmem>>)
      tpu.yield
    }) : () -> ()
    %dma_start3A = arith.constant 0 : i32
    %dma_start3A_2 = arith.constant 0 : i32
    %dma_start3A_3 = tpu.memref_slice %arg7[%dma_start3A, %dma_start3A_2] : memref<42x128xi32, #tpu.memory_space<vmem>> -> memref<1x128xi32, #tpu.memory_space<vmem>>
    %dma_start3A_4 = tpu.memref_squeeze %dma_start3A_3 : memref<1x128xi32, #tpu.memory_space<vmem>> -> memref<128xi32, #tpu.memory_space<vmem>>
    %dma_start3A_5 = arith.constant 0 : i32
    %dma_start3A_6 = arith.constant 0 : i32
    %dma_start3A_7 = tpu.memref_slice %arg2[%dma_start3A_5, %dma_start3A_6] : memref<20480x128xf32, #tpu.memory_space<hbm>> -> memref<20480x128xf32, #tpu.memory_space<hbm>>
    tpu.enqueue_indirect_dma source(%dma_start3A_7 : memref<20480x128xf32, #tpu.memory_space<hbm>>) target(%arg9 : memref<128x128xf32, #tpu.memory_space<vmem>>) offsets(%dma_start3A_4 : memref<128xi32, #tpu.memory_space<vmem>>) semaphore(%arg12 : memref<!tpu.dma_semaphore, #tpu.memory_space<semaphore_mem>>)
    %dma_start3A_8 = arith.constant 1 : i32
    %dma_start3A_9 = arith.constant 0 : i32
    %dma_start3A_10 = tpu.memref_slice %arg7[%dma_start3A_8, %dma_start3A_9] : memref<42x128xi32, #tpu.memory_space<vmem>> -> memref<1x128xi32, #tpu.memory_space<vmem>>
    %dma_start3A_11 = tpu.memref_squeeze %dma_start3A_10 : memref<1x128xi32, #tpu.memory_space<vmem>> -> memref<128xi32, #tpu.memory_space<vmem>>
    %dma_start3A_12 = arith.constant 0 : i32
    %dma_start3A_13 = arith.constant 0 : i32
    %dma_start3A_14 = tpu.memref_slice %arg2[%dma_start3A_12, %dma_start3A_13] : memref<20480x128xf32, #tpu.memory_space<hbm>> -> memref<20480x128xf32, #tpu.memory_space<hbm>>
    tpu.enqueue_indirect_dma source(%dma_start3A_14 : memref<20480x128xf32, #tpu.memory_space<hbm>>) target(%arg10 : memref<128x128xf32, #tpu.memory_space<vmem>>) offsets(%dma_start3A_11 : memref<128xi32, #tpu.memory_space<vmem>>) semaphore(%arg13 : memref<!tpu.dma_semaphore, #tpu.memory_space<semaphore_mem>>)
    %scan3A = arith.constant 0 : i32
    %scan3A_15 = arith.constant 20 : i32
    %scan3A_16 = arith.addi %scan3A, %scan3A_15 : i32
    %scan3A_17 = arith.constant 1 : i32
    scf.for %scan3A_68 = %scan3A to %scan3A_16 step %scan3A_17  : i32 {
      %mul3A_69 = arith.constant 2 : i32
      %mul3A_70 = arith.muli %scan3A_68, %mul3A_69 : i32
      %add3A = arith.constant 0 : i32
      %add3A_71 = arith.addi %add3A, %mul3A_70 : i32
      %add3A_72 = arith.constant 0 : i32
      %add3A_73 = arith.addi %add3A_71, %add3A_72 : i32
      %dma_wait3A_74 = arith.constant 0 : i32
      %dma_wait3A_75 = tpu.memref_slice %arg7[%add3A_73, %dma_wait3A_74] : memref<42x128xi32, #tpu.memory_space<vmem>> -> memref<1x128xi32, #tpu.memory_space<vmem>>
      %dma_wait3A_76 = tpu.memref_squeeze %dma_wait3A_75 : memref<1x128xi32, #tpu.memory_space<vmem>> -> memref<128xi32, #tpu.memory_space<vmem>>
      %dma_wait3A_77 = arith.constant 0 : i32
      %dma_wait3A_78 = arith.constant 0 : i32
      %dma_wait3A_79 = tpu.memref_slice %arg2[%dma_wait3A_77, %dma_wait3A_78] : memref<20480x128xf32, #tpu.memory_space<hbm>> -> memref<20480x128xf32, #tpu.memory_space<hbm>>
      tpu.wait_indirect_dma semaphore(%arg12 : memref<!tpu.dma_semaphore, #tpu.memory_space<semaphore_mem>>) src(%dma_wait3A_79 : memref<20480x128xf32, #tpu.memory_space<hbm>>) dst(%arg9 : memref<128x128xf32, #tpu.memory_space<vmem>>)
      "tpu.region"() ({
        %run_scoped3A_104 = tpu.sem_alloc : memref<!tpu.dma_semaphore, #tpu.memory_space<semaphore_mem>>
        %dma_start3A_105 = arith.constant 0 : i32
        %dma_start3A_106 = tpu.memref_slice %arg8[%add3A_73, %dma_start3A_105] : memref<40x128xi32, #tpu.memory_space<vmem>> -> memref<1x128xi32, #tpu.memory_space<vmem>>
        %dma_start3A_107 = tpu.memref_squeeze %dma_start3A_106 : memref<1x128xi32, #tpu.memory_space<vmem>> -> memref<128xi32, #tpu.memory_space<vmem>>
        %dma_start3A_108 = arith.constant 0 : i32
        %dma_start3A_109 = arith.constant 0 : i32
        %dma_start3A_110 = tpu.memref_slice %arg11[%dma_start3A_108, %dma_start3A_109] : memref<10240x128xf32, #tpu.memory_space<vmem_shared>> -> memref<10240x128xf32, #tpu.memory_space<vmem_shared>>
        tpu.enqueue_indirect_dma source(%arg9 : memref<128x128xf32, #tpu.memory_space<vmem>>) target(%dma_start3A_110 : memref<10240x128xf32, #tpu.memory_space<vmem_shared>>) offsets(%dma_start3A_107 : memref<128xi32, #tpu.memory_space<vmem>>) semaphore(%run_scoped3A_104 : memref<!tpu.dma_semaphore, #tpu.memory_space<semaphore_mem>>) {add = true}
        %dma_wait3A_111 = arith.constant 0 : i32
        %dma_wait3A_112 = tpu.memref_slice %arg8[%add3A_73, %dma_wait3A_111] : memref<40x128xi32, #tpu.memory_space<vmem>> -> memref<1x128xi32, #tpu.memory_space<vmem>>
        %dma_wait3A_113 = tpu.memref_squeeze %dma_wait3A_112 : memref<1x128xi32, #tpu.memory_space<vmem>> -> memref<128xi32, #tpu.memory_space<vmem>>
        %dma_wait3A_114 = arith.constant 0 : i32
        %dma_wait3A_115 = arith.constant 0 : i32
        %dma_wait3A_116 = tpu.memref_slice %arg11[%dma_wait3A_114, %dma_wait3A_115] : memref<10240x128xf32, #tpu.memory_space<vmem_shared>> -> memref<10240x128xf32, #tpu.memory_space<vmem_shared>>
        tpu.wait_indirect_dma semaphore(%run_scoped3A_104 : memref<!tpu.dma_semaphore, #tpu.memory_space<semaphore_mem>>) src(%arg9 : memref<128x128xf32, #tpu.memory_space<vmem>>) dst(%dma_wait3A_116 : memref<10240x128xf32, #tpu.memory_space<vmem_shared>>)
        tpu.yield
      }) : () -> ()
      %add3A_80 = arith.constant 2 : i32
      %add3A_81 = arith.addi %add3A_73, %add3A_80 : i32
      %dma_start3A_82 = arith.constant 0 : i32
      %dma_start3A_83 = tpu.memref_slice %arg7[%add3A_81, %dma_start3A_82] : memref<42x128xi32, #tpu.memory_space<vmem>> -> memref<1x128xi32, #tpu.memory_space<vmem>>
      %dma_start3A_84 = tpu.memref_squeeze %dma_start3A_83 : memref<1x128xi32, #tpu.memory_space<vmem>> -> memref<128xi32, #tpu.memory_space<vmem>>
      %dma_start3A_85 = arith.constant 0 : i32
      %dma_start3A_86 = arith.constant 0 : i32
      %dma_start3A_87 = tpu.memref_slice %arg2[%dma_start3A_85, %dma_start3A_86] : memref<20480x128xf32, #tpu.memory_space<hbm>> -> memref<20480x128xf32, #tpu.memory_space<hbm>>
      tpu.enqueue_indirect_dma source(%dma_start3A_87 : memref<20480x128xf32, #tpu.memory_space<hbm>>) target(%arg9 : memref<128x128xf32, #tpu.memory_space<vmem>>) offsets(%dma_start3A_84 : memref<128xi32, #tpu.memory_space<vmem>>) semaphore(%arg12 : memref<!tpu.dma_semaphore, #tpu.memory_space<semaphore_mem>>)
      %add3A_88 = arith.constant 1 : i32
      %add3A_89 = arith.addi %add3A_71, %add3A_88 : i32
      %dma_wait3A_90 = arith.constant 0 : i32
      %dma_wait3A_91 = tpu.memref_slice %arg7[%add3A_89, %dma_wait3A_90] : memref<42x128xi32, #tpu.memory_space<vmem>> -> memref<1x128xi32, #tpu.memory_space<vmem>>
      %dma_wait3A_92 = tpu.memref_squeeze %dma_wait3A_91 : memref<1x128xi32, #tpu.memory_space<vmem>> -> memref<128xi32, #tpu.memory_space<vmem>>
      %dma_wait3A_93 = arith.constant 0 : i32
      %dma_wait3A_94 = arith.constant 0 : i32
      %dma_wait3A_95 = tpu.memref_slice %arg2[%dma_wait3A_93, %dma_wait3A_94] : memref<20480x128xf32, #tpu.memory_space<hbm>> -> memref<20480x128xf32, #tpu.memory_space<hbm>>
      tpu.wait_indirect_dma semaphore(%arg13 : memref<!tpu.dma_semaphore, #tpu.memory_space<semaphore_mem>>) src(%dma_wait3A_95 : memref<20480x128xf32, #tpu.memory_space<hbm>>) dst(%arg10 : memref<128x128xf32, #tpu.memory_space<vmem>>)
      "tpu.region"() ({
        %run_scoped3A_104 = tpu.sem_alloc : memref<!tpu.dma_semaphore, #tpu.memory_space<semaphore_mem>>
        %dma_start3A_105 = arith.constant 0 : i32
        %dma_start3A_106 = tpu.memref_slice %arg8[%add3A_89, %dma_start3A_105] : memref<40x128xi32, #tpu.memory_space<vmem>> -> memref<1x128xi32, #tpu.memory_space<vmem>>
        %dma_start3A_107 = tpu.memref_squeeze %dma_start3A_106 : memref<1x128xi32, #tpu.memory_space<vmem>> -> memref<128xi32, #tpu.memory_space<vmem>>
        %dma_start3A_108 = arith.constant 0 : i32
        %dma_start3A_109 = arith.constant 0 : i32
        %dma_start3A_110 = tpu.memref_slice %arg11[%dma_start3A_108, %dma_start3A_109] : memref<10240x128xf32, #tpu.memory_space<vmem_shared>> -> memref<10240x128xf32, #tpu.memory_space<vmem_shared>>
        tpu.enqueue_indirect_dma source(%arg10 : memref<128x128xf32, #tpu.memory_space<vmem>>) target(%dma_start3A_110 : memref<10240x128xf32, #tpu.memory_space<vmem_shared>>) offsets(%dma_start3A_107 : memref<128xi32, #tpu.memory_space<vmem>>) semaphore(%run_scoped3A_104 : memref<!tpu.dma_semaphore, #tpu.memory_space<semaphore_mem>>) {add = true}
        %dma_wait3A_111 = arith.constant 0 : i32
        %dma_wait3A_112 = tpu.memref_slice %arg8[%add3A_89, %dma_wait3A_111] : memref<40x128xi32, #tpu.memory_space<vmem>> -> memref<1x128xi32, #tpu.memory_space<vmem>>
        %dma_wait3A_113 = tpu.memref_squeeze %dma_wait3A_112 : memref<1x128xi32, #tpu.memory_space<vmem>> -> memref<128xi32, #tpu.memory_space<vmem>>
        %dma_wait3A_114 = arith.constant 0 : i32
        %dma_wait3A_115 = arith.constant 0 : i32
        %dma_wait3A_116 = tpu.memref_slice %arg11[%dma_wait3A_114, %dma_wait3A_115] : memref<10240x128xf32, #tpu.memory_space<vmem_shared>> -> memref<10240x128xf32, #tpu.memory_space<vmem_shared>>
        tpu.wait_indirect_dma semaphore(%run_scoped3A_104 : memref<!tpu.dma_semaphore, #tpu.memory_space<semaphore_mem>>) src(%arg10 : memref<128x128xf32, #tpu.memory_space<vmem>>) dst(%dma_wait3A_116 : memref<10240x128xf32, #tpu.memory_space<vmem_shared>>)
        tpu.yield
      }) : () -> ()
      %add3A_96 = arith.constant 2 : i32
      %add3A_97 = arith.addi %add3A_89, %add3A_96 : i32
      %dma_start3A_98 = arith.constant 0 : i32
      %dma_start3A_99 = tpu.memref_slice %arg7[%add3A_97, %dma_start3A_98] : memref<42x128xi32, #tpu.memory_space<vmem>> -> memref<1x128xi32, #tpu.memory_space<vmem>>
      %dma_start3A_100 = tpu.memref_squeeze %dma_start3A_99 : memref<1x128xi32, #tpu.memory_space<vmem>> -> memref<128xi32, #tpu.memory_space<vmem>>
      %dma_start3A_101 = arith.constant 0 : i32
      %dma_start3A_102 = arith.constant 0 : i32
      %dma_start3A_103 = tpu.memref_slice %arg2[%dma_start3A_101, %dma_start3A_102] : memref<20480x128xf32, #tpu.memory_space<hbm>> -> memref<20480x128xf32, #tpu.memory_space<hbm>>
      tpu.enqueue_indirect_dma source(%dma_start3A_103 : memref<20480x128xf32, #tpu.memory_space<hbm>>) target(%arg10 : memref<128x128xf32, #tpu.memory_space<vmem>>) offsets(%dma_start3A_100 : memref<128xi32, #tpu.memory_space<vmem>>) semaphore(%arg13 : memref<!tpu.dma_semaphore, #tpu.memory_space<semaphore_mem>>)
    }
    %scan3A_18 = arith.constant 20 : i32
    %dma_wait3A = arith.constant 0 : i32
    %dma_wait3A_19 = arith.constant 0 : i32
    %dma_wait3A_20 = tpu.memref_slice %arg7[%dma_wait3A, %dma_wait3A_19] : memref<42x128xi32, #tpu.memory_space<vmem>> -> memref<1x128xi32, #tpu.memory_space<vmem>>
    %dma_wait3A_21 = tpu.memref_squeeze %dma_wait3A_20 : memref<1x128xi32, #tpu.memory_space<vmem>> -> memref<128xi32, #tpu.memory_space<vmem>>
    %dma_wait3A_22 = arith.constant 0 : i32
    %dma_wait3A_23 = arith.constant 0 : i32
    %dma_wait3A_24 = tpu.memref_slice %arg2[%dma_wait3A_22, %dma_wait3A_23] : memref<20480x128xf32, #tpu.memory_space<hbm>> -> memref<20480x128xf32, #tpu.memory_space<hbm>>
    tpu.wait_indirect_dma semaphore(%arg12 : memref<!tpu.dma_semaphore, #tpu.memory_space<semaphore_mem>>) src(%dma_wait3A_24 : memref<20480x128xf32, #tpu.memory_space<hbm>>) dst(%arg9 : memref<128x128xf32, #tpu.memory_space<vmem>>)
    %dma_wait3A_25 = arith.constant 1 : i32
    %dma_wait3A_26 = arith.constant 0 : i32
    %dma_wait3A_27 = tpu.memref_slice %arg7[%dma_wait3A_25, %dma_wait3A_26] : memref<42x128xi32, #tpu.memory_space<vmem>> -> memref<1x128xi32, #tpu.memory_space<vmem>>
    %dma_wait3A_28 = tpu.memref_squeeze %dma_wait3A_27 : memref<1x128xi32, #tpu.memory_space<vmem>> -> memref<128xi32, #tpu.memory_space<vmem>>
    %dma_wait3A_29 = arith.constant 0 : i32
    %dma_wait3A_30 = arith.constant 0 : i32
    %dma_wait3A_31 = tpu.memref_slice %arg2[%dma_wait3A_29, %dma_wait3A_30] : memref<20480x128xf32, #tpu.memory_space<hbm>> -> memref<20480x128xf32, #tpu.memory_space<hbm>>
    tpu.wait_indirect_dma semaphore(%arg13 : memref<!tpu.dma_semaphore, #tpu.memory_space<semaphore_mem>>) src(%dma_wait3A_31 : memref<20480x128xf32, #tpu.memory_space<hbm>>) dst(%arg10 : memref<128x128xf32, #tpu.memory_space<vmem>>)
    %run_scoped3A_32 = arith.constant 1 : i32
    "tpu.region"() ({
      %run_scoped3A_68 = tpu.sem_alloc : memref<!tpu.dma_semaphore, #tpu.memory_space<semaphore_mem>>
      %dma_start3A_69 = arith.constant 0 : i32
      %dma_start3A_70 = arith.constant 0 : i32
      %dma_start3A_71 = tpu.memref_slice %arg3[%arg0, %arg1, %run_scoped3A_32, %dma_start3A_69, %dma_start3A_70] : memref<2x16x2x42x128xi32, #tpu.memory_space<hbm>> -> memref<1x1x1x42x128xi32, #tpu.memory_space<hbm>>
      %dma_start3A_72 = tpu.memref_squeeze %dma_start3A_71 : memref<1x1x1x42x128xi32, #tpu.memory_space<hbm>> -> memref<42x128xi32, #tpu.memory_space<hbm>>
      %dma_start3A_73 = arith.constant 0 : i32
      %dma_start3A_74 = arith.constant 0 : i32
      %dma_start3A_75 = tpu.memref_slice %arg3[%arg0, %arg1, %run_scoped3A_32, %dma_start3A_73, %dma_start3A_74] : memref<2x16x2x42x128xi32, #tpu.memory_space<hbm>> -> memref<1x1x1x42x128xi32, #tpu.memory_space<hbm>>
      %dma_start3A_76 = tpu.memref_squeeze %dma_start3A_75 : memref<1x1x1x42x128xi32, #tpu.memory_space<hbm>> -> memref<42x128xi32, #tpu.memory_space<hbm>>
      tpu.enqueue_dma source(%dma_start3A_76 : memref<42x128xi32, #tpu.memory_space<hbm>>) target(%arg7 : memref<42x128xi32, #tpu.memory_space<vmem>>) target_semaphore(%run_scoped3A_68 : memref<!tpu.dma_semaphore, #tpu.memory_space<semaphore_mem>>)
      %dma_wait3A_77 = arith.constant 0 : i32
      %dma_wait3A_78 = arith.constant 0 : i32
      %dma_wait3A_79 = tpu.memref_slice %arg3[%arg0, %arg1, %run_scoped3A_32, %dma_wait3A_77, %dma_wait3A_78] : memref<2x16x2x42x128xi32, #tpu.memory_space<hbm>> -> memref<1x1x1x42x128xi32, #tpu.memory_space<hbm>>
      %dma_wait3A_80 = tpu.memref_squeeze %dma_wait3A_79 : memref<1x1x1x42x128xi32, #tpu.memory_space<hbm>> -> memref<42x128xi32, #tpu.memory_space<hbm>>
      %dma_wait3A_81 = arith.constant 0 : i32
      %dma_wait3A_82 = arith.constant 0 : i32
      %dma_wait3A_83 = tpu.memref_slice %arg3[%arg0, %arg1, %run_scoped3A_32, %dma_wait3A_81, %dma_wait3A_82] : memref<2x16x2x42x128xi32, #tpu.memory_space<hbm>> -> memref<1x1x1x42x128xi32, #tpu.memory_space<hbm>>
      %dma_wait3A_84 = tpu.memref_squeeze %dma_wait3A_83 : memref<1x1x1x42x128xi32, #tpu.memory_space<hbm>> -> memref<42x128xi32, #tpu.memory_space<hbm>>
      tpu.wait_dma2 semaphore(%run_scoped3A_68 : memref<!tpu.dma_semaphore, #tpu.memory_space<semaphore_mem>>) src(%dma_wait3A_84 : memref<42x128xi32, #tpu.memory_space<hbm>>) dst(%arg7 : memref<42x128xi32, #tpu.memory_space<vmem>>)
      tpu.yield
    }) : () -> ()
    %run_scoped3A_33 = arith.constant 1 : i32
    "tpu.region"() ({
      %run_scoped3A_68 = tpu.sem_alloc : memref<!tpu.dma_semaphore, #tpu.memory_space<semaphore_mem>>
      %dma_start3A_69 = arith.constant 0 : i32
      %dma_start3A_70 = arith.constant 0 : i32
      %dma_start3A_71 = tpu.memref_slice %arg4[%arg0, %arg1, %run_scoped3A_33, %dma_start3A_69, %dma_start3A_70] : memref<2x16x2x40x128xi32, #tpu.memory_space<hbm>> -> memref<1x1x1x40x128xi32, #tpu.memory_space<hbm>>
      %dma_start3A_72 = tpu.memref_squeeze %dma_start3A_71 : memref<1x1x1x40x128xi32, #tpu.memory_space<hbm>> -> memref<40x128xi32, #tpu.memory_space<hbm>>
      %dma_start3A_73 = arith.constant 0 : i32
      %dma_start3A_74 = arith.constant 0 : i32
      %dma_start3A_75 = tpu.memref_slice %arg4[%arg0, %arg1, %run_scoped3A_33, %dma_start3A_73, %dma_start3A_74] : memref<2x16x2x40x128xi32, #tpu.memory_space<hbm>> -> memref<1x1x1x40x128xi32, #tpu.memory_space<hbm>>
      %dma_start3A_76 = tpu.memref_squeeze %dma_start3A_75 : memref<1x1x1x40x128xi32, #tpu.memory_space<hbm>> -> memref<40x128xi32, #tpu.memory_space<hbm>>
      tpu.enqueue_dma source(%dma_start3A_76 : memref<40x128xi32, #tpu.memory_space<hbm>>) target(%arg8 : memref<40x128xi32, #tpu.memory_space<vmem>>) target_semaphore(%run_scoped3A_68 : memref<!tpu.dma_semaphore, #tpu.memory_space<semaphore_mem>>)
      %dma_wait3A_77 = arith.constant 0 : i32
      %dma_wait3A_78 = arith.constant 0 : i32
      %dma_wait3A_79 = tpu.memref_slice %arg4[%arg0, %arg1, %run_scoped3A_33, %dma_wait3A_77, %dma_wait3A_78] : memref<2x16x2x40x128xi32, #tpu.memory_space<hbm>> -> memref<1x1x1x40x128xi32, #tpu.memory_space<hbm>>
      %dma_wait3A_80 = tpu.memref_squeeze %dma_wait3A_79 : memref<1x1x1x40x128xi32, #tpu.memory_space<hbm>> -> memref<40x128xi32, #tpu.memory_space<hbm>>
      %dma_wait3A_81 = arith.constant 0 : i32
      %dma_wait3A_82 = arith.constant 0 : i32
      %dma_wait3A_83 = tpu.memref_slice %arg4[%arg0, %arg1, %run_scoped3A_33, %dma_wait3A_81, %dma_wait3A_82] : memref<2x16x2x40x128xi32, #tpu.memory_space<hbm>> -> memref<1x1x1x40x128xi32, #tpu.memory_space<hbm>>
      %dma_wait3A_84 = tpu.memref_squeeze %dma_wait3A_83 : memref<1x1x1x40x128xi32, #tpu.memory_space<hbm>> -> memref<40x128xi32, #tpu.memory_space<hbm>>
      tpu.wait_dma2 semaphore(%run_scoped3A_68 : memref<!tpu.dma_semaphore, #tpu.memory_space<semaphore_mem>>) src(%dma_wait3A_84 : memref<40x128xi32, #tpu.memory_space<hbm>>) dst(%arg8 : memref<40x128xi32, #tpu.memory_space<vmem>>)
      tpu.yield
    }) : () -> ()
    %dma_start3A_34 = arith.constant 0 : i32
    %dma_start3A_35 = arith.constant 0 : i32
    %dma_start3A_36 = tpu.memref_slice %arg7[%dma_start3A_34, %dma_start3A_35] : memref<42x128xi32, #tpu.memory_space<vmem>> -> memref<1x128xi32, #tpu.memory_space<vmem>>
    %dma_start3A_37 = tpu.memref_squeeze %dma_start3A_36 : memref<1x128xi32, #tpu.memory_space<vmem>> -> memref<128xi32, #tpu.memory_space<vmem>>
    %dma_start3A_38 = arith.constant 0 : i32
    %dma_start3A_39 = arith.constant 0 : i32
    %dma_start3A_40 = tpu.memref_slice %arg2[%dma_start3A_38, %dma_start3A_39] : memref<20480x128xf32, #tpu.memory_space<hbm>> -> memref<20480x128xf32, #tpu.memory_space<hbm>>
    tpu.enqueue_indirect_dma source(%dma_start3A_40 : memref<20480x128xf32, #tpu.memory_space<hbm>>) target(%arg9 : memref<128x128xf32, #tpu.memory_space<vmem>>) offsets(%dma_start3A_37 : memref<128xi32, #tpu.memory_space<vmem>>) semaphore(%arg12 : memref<!tpu.dma_semaphore, #tpu.memory_space<semaphore_mem>>)
    %dma_start3A_41 = arith.constant 1 : i32
    %dma_start3A_42 = arith.constant 0 : i32
    %dma_start3A_43 = tpu.memref_slice %arg7[%dma_start3A_41, %dma_start3A_42] : memref<42x128xi32, #tpu.memory_space<vmem>> -> memref<1x128xi32, #tpu.memory_space<vmem>>
    %dma_start3A_44 = tpu.memref_squeeze %dma_start3A_43 : memref<1x128xi32, #tpu.memory_space<vmem>> -> memref<128xi32, #tpu.memory_space<vmem>>
    %dma_start3A_45 = arith.constant 0 : i32
    %dma_start3A_46 = arith.constant 0 : i32
    %dma_start3A_47 = tpu.memref_slice %arg2[%dma_start3A_45, %dma_start3A_46] : memref<20480x128xf32, #tpu.memory_space<hbm>> -> memref<20480x128xf32, #tpu.memory_space<hbm>>
    tpu.enqueue_indirect_dma source(%dma_start3A_47 : memref<20480x128xf32, #tpu.memory_space<hbm>>) target(%arg10 : memref<128x128xf32, #tpu.memory_space<vmem>>) offsets(%dma_start3A_44 : memref<128xi32, #tpu.memory_space<vmem>>) semaphore(%arg13 : memref<!tpu.dma_semaphore, #tpu.memory_space<semaphore_mem>>)
    %scan3A_48 = arith.constant 0 : i32
    %scan3A_49 = arith.constant 20 : i32
    %scan3A_50 = arith.addi %scan3A_48, %scan3A_49 : i32
    %scan3A_51 = arith.constant 1 : i32
    scf.for %scan3A_68 = %scan3A_48 to %scan3A_50 step %scan3A_51  : i32 {
      %mul3A_69 = arith.constant 2 : i32
      %mul3A_70 = arith.muli %scan3A_68, %mul3A_69 : i32
      %add3A = arith.constant 0 : i32
      %add3A_71 = arith.addi %add3A, %mul3A_70 : i32
      %add3A_72 = arith.constant 0 : i32
      %add3A_73 = arith.addi %add3A_71, %add3A_72 : i32
      %dma_wait3A_74 = arith.constant 0 : i32
      %dma_wait3A_75 = tpu.memref_slice %arg7[%add3A_73, %dma_wait3A_74] : memref<42x128xi32, #tpu.memory_space<vmem>> -> memref<1x128xi32, #tpu.memory_space<vmem>>
      %dma_wait3A_76 = tpu.memref_squeeze %dma_wait3A_75 : memref<1x128xi32, #tpu.memory_space<vmem>> -> memref<128xi32, #tpu.memory_space<vmem>>
      %dma_wait3A_77 = arith.constant 0 : i32
      %dma_wait3A_78 = arith.constant 0 : i32
      %dma_wait3A_79 = tpu.memref_slice %arg2[%dma_wait3A_77, %dma_wait3A_78] : memref<20480x128xf32, #tpu.memory_space<hbm>> -> memref<20480x128xf32, #tpu.memory_space<hbm>>
      tpu.wait_indirect_dma semaphore(%arg12 : memref<!tpu.dma_semaphore, #tpu.memory_space<semaphore_mem>>) src(%dma_wait3A_79 : memref<20480x128xf32, #tpu.memory_space<hbm>>) dst(%arg9 : memref<128x128xf32, #tpu.memory_space<vmem>>)
      "tpu.region"() ({
        %run_scoped3A_104 = tpu.sem_alloc : memref<!tpu.dma_semaphore, #tpu.memory_space<semaphore_mem>>
        %dma_start3A_105 = arith.constant 0 : i32
        %dma_start3A_106 = tpu.memref_slice %arg8[%add3A_73, %dma_start3A_105] : memref<40x128xi32, #tpu.memory_space<vmem>> -> memref<1x128xi32, #tpu.memory_space<vmem>>
        %dma_start3A_107 = tpu.memref_squeeze %dma_start3A_106 : memref<1x128xi32, #tpu.memory_space<vmem>> -> memref<128xi32, #tpu.memory_space<vmem>>
        %dma_start3A_108 = arith.constant 0 : i32
        %dma_start3A_109 = arith.constant 0 : i32
        %dma_start3A_110 = tpu.memref_slice %arg11[%dma_start3A_108, %dma_start3A_109] : memref<10240x128xf32, #tpu.memory_space<vmem_shared>> -> memref<10240x128xf32, #tpu.memory_space<vmem_shared>>
        tpu.enqueue_indirect_dma source(%arg9 : memref<128x128xf32, #tpu.memory_space<vmem>>) target(%dma_start3A_110 : memref<10240x128xf32, #tpu.memory_space<vmem_shared>>) offsets(%dma_start3A_107 : memref<128xi32, #tpu.memory_space<vmem>>) semaphore(%run_scoped3A_104 : memref<!tpu.dma_semaphore, #tpu.memory_space<semaphore_mem>>) {add = true}
        %dma_wait3A_111 = arith.constant 0 : i32
        %dma_wait3A_112 = tpu.memref_slice %arg8[%add3A_73, %dma_wait3A_111] : memref<40x128xi32, #tpu.memory_space<vmem>> -> memref<1x128xi32, #tpu.memory_space<vmem>>
        %dma_wait3A_113 = tpu.memref_squeeze %dma_wait3A_112 : memref<1x128xi32, #tpu.memory_space<vmem>> -> memref<128xi32, #tpu.memory_space<vmem>>
        %dma_wait3A_114 = arith.constant 0 : i32
        %dma_wait3A_115 = arith.constant 0 : i32
        %dma_wait3A_116 = tpu.memref_slice %arg11[%dma_wait3A_114, %dma_wait3A_115] : memref<10240x128xf32, #tpu.memory_space<vmem_shared>> -> memref<10240x128xf32, #tpu.memory_space<vmem_shared>>
        tpu.wait_indirect_dma semaphore(%run_scoped3A_104 : memref<!tpu.dma_semaphore, #tpu.memory_space<semaphore_mem>>) src(%arg9 : memref<128x128xf32, #tpu.memory_space<vmem>>) dst(%dma_wait3A_116 : memref<10240x128xf32, #tpu.memory_space<vmem_shared>>)
        tpu.yield
      }) : () -> ()
      %add3A_80 = arith.constant 2 : i32
      %add3A_81 = arith.addi %add3A_73, %add3A_80 : i32
      %dma_start3A_82 = arith.constant 0 : i32
      %dma_start3A_83 = tpu.memref_slice %arg7[%add3A_81, %dma_start3A_82] : memref<42x128xi32, #tpu.memory_space<vmem>> -> memref<1x128xi32, #tpu.memory_space<vmem>>
      %dma_start3A_84 = tpu.memref_squeeze %dma_start3A_83 : memref<1x128xi32, #tpu.memory_space<vmem>> -> memref<128xi32, #tpu.memory_space<vmem>>
      %dma_start3A_85 = arith.constant 0 : i32
      %dma_start3A_86 = arith.constant 0 : i32
      %dma_start3A_87 = tpu.memref_slice %arg2[%dma_start3A_85, %dma_start3A_86] : memref<20480x128xf32, #tpu.memory_space<hbm>> -> memref<20480x128xf32, #tpu.memory_space<hbm>>
      tpu.enqueue_indirect_dma source(%dma_start3A_87 : memref<20480x128xf32, #tpu.memory_space<hbm>>) target(%arg9 : memref<128x128xf32, #tpu.memory_space<vmem>>) offsets(%dma_start3A_84 : memref<128xi32, #tpu.memory_space<vmem>>) semaphore(%arg12 : memref<!tpu.dma_semaphore, #tpu.memory_space<semaphore_mem>>)
      %add3A_88 = arith.constant 1 : i32
      %add3A_89 = arith.addi %add3A_71, %add3A_88 : i32
      %dma_wait3A_90 = arith.constant 0 : i32
      %dma_wait3A_91 = tpu.memref_slice %arg7[%add3A_89, %dma_wait3A_90] : memref<42x128xi32, #tpu.memory_space<vmem>> -> memref<1x128xi32, #tpu.memory_space<vmem>>
      %dma_wait3A_92 = tpu.memref_squeeze %dma_wait3A_91 : memref<1x128xi32, #tpu.memory_space<vmem>> -> memref<128xi32, #tpu.memory_space<vmem>>
      %dma_wait3A_93 = arith.constant 0 : i32
      %dma_wait3A_94 = arith.constant 0 : i32
      %dma_wait3A_95 = tpu.memref_slice %arg2[%dma_wait3A_93, %dma_wait3A_94] : memref<20480x128xf32, #tpu.memory_space<hbm>> -> memref<20480x128xf32, #tpu.memory_space<hbm>>
      tpu.wait_indirect_dma semaphore(%arg13 : memref<!tpu.dma_semaphore, #tpu.memory_space<semaphore_mem>>) src(%dma_wait3A_95 : memref<20480x128xf32, #tpu.memory_space<hbm>>) dst(%arg10 : memref<128x128xf32, #tpu.memory_space<vmem>>)
      "tpu.region"() ({
        %run_scoped3A_104 = tpu.sem_alloc : memref<!tpu.dma_semaphore, #tpu.memory_space<semaphore_mem>>
        %dma_start3A_105 = arith.constant 0 : i32
        %dma_start3A_106 = tpu.memref_slice %arg8[%add3A_89, %dma_start3A_105] : memref<40x128xi32, #tpu.memory_space<vmem>> -> memref<1x128xi32, #tpu.memory_space<vmem>>
        %dma_start3A_107 = tpu.memref_squeeze %dma_start3A_106 : memref<1x128xi32, #tpu.memory_space<vmem>> -> memref<128xi32, #tpu.memory_space<vmem>>
        %dma_start3A_108 = arith.constant 0 : i32
        %dma_start3A_109 = arith.constant 0 : i32
        %dma_start3A_110 = tpu.memref_slice %arg11[%dma_start3A_108, %dma_start3A_109] : memref<10240x128xf32, #tpu.memory_space<vmem_shared>> -> memref<10240x128xf32, #tpu.memory_space<vmem_shared>>
        tpu.enqueue_indirect_dma source(%arg10 : memref<128x128xf32, #tpu.memory_space<vmem>>) target(%dma_start3A_110 : memref<10240x128xf32, #tpu.memory_space<vmem_shared>>) offsets(%dma_start3A_107 : memref<128xi32, #tpu.memory_space<vmem>>) semaphore(%run_scoped3A_104 : memref<!tpu.dma_semaphore, #tpu.memory_space<semaphore_mem>>) {add = true}
        %dma_wait3A_111 = arith.constant 0 : i32
        %dma_wait3A_112 = tpu.memref_slice %arg8[%add3A_89, %dma_wait3A_111] : memref<40x128xi32, #tpu.memory_space<vmem>> -> memref<1x128xi32, #tpu.memory_space<vmem>>
        %dma_wait3A_113 = tpu.memref_squeeze %dma_wait3A_112 : memref<1x128xi32, #tpu.memory_space<vmem>> -> memref<128xi32, #tpu.memory_space<vmem>>
        %dma_wait3A_114 = arith.constant 0 : i32
        %dma_wait3A_115 = arith.constant 0 : i32
        %dma_wait3A_116 = tpu.memref_slice %arg11[%dma_wait3A_114, %dma_wait3A_115] : memref<10240x128xf32, #tpu.memory_space<vmem_shared>> -> memref<10240x128xf32, #tpu.memory_space<vmem_shared>>
        tpu.wait_indirect_dma semaphore(%run_scoped3A_104 : memref<!tpu.dma_semaphore, #tpu.memory_space<semaphore_mem>>) src(%arg10 : memref<128x128xf32, #tpu.memory_space<vmem>>) dst(%dma_wait3A_116 : memref<10240x128xf32, #tpu.memory_space<vmem_shared>>)
        tpu.yield
      }) : () -> ()
      %add3A_96 = arith.constant 2 : i32
      %add3A_97 = arith.addi %add3A_89, %add3A_96 : i32
      %dma_start3A_98 = arith.constant 0 : i32
      %dma_start3A_99 = tpu.memref_slice %arg7[%add3A_97, %dma_start3A_98] : memref<42x128xi32, #tpu.memory_space<vmem>> -> memref<1x128xi32, #tpu.memory_space<vmem>>
      %dma_start3A_100 = tpu.memref_squeeze %dma_start3A_99 : memref<1x128xi32, #tpu.memory_space<vmem>> -> memref<128xi32, #tpu.memory_space<vmem>>
      %dma_start3A_101 = arith.constant 0 : i32
      %dma_start3A_102 = arith.constant 0 : i32
      %dma_start3A_103 = tpu.memref_slice %arg2[%dma_start3A_101, %dma_start3A_102] : memref<20480x128xf32, #tpu.memory_space<hbm>> -> memref<20480x128xf32, #tpu.memory_space<hbm>>
      tpu.enqueue_indirect_dma source(%dma_start3A_103 : memref<20480x128xf32, #tpu.memory_space<hbm>>) target(%arg10 : memref<128x128xf32, #tpu.memory_space<vmem>>) offsets(%dma_start3A_100 : memref<128xi32, #tpu.memory_space<vmem>>) semaphore(%arg13 : memref<!tpu.dma_semaphore, #tpu.memory_space<semaphore_mem>>)
    }
    %scan3A_52 = arith.constant 20 : i32
    %dma_wait3A_53 = arith.constant 0 : i32
    %dma_wait3A_54 = arith.constant 0 : i32
    %dma_wait3A_55 = tpu.memref_slice %arg7[%dma_wait3A_53, %dma_wait3A_54] : memref<42x128xi32, #tpu.memory_space<vmem>> -> memref<1x128xi32, #tpu.memory_space<vmem>>
    %dma_wait3A_56 = tpu.memref_squeeze %dma_wait3A_55 : memref<1x128xi32, #tpu.memory_space<vmem>> -> memref<128xi32, #tpu.memory_space<vmem>>
    %dma_wait3A_57 = arith.constant 0 : i32
    %dma_wait3A_58 = arith.constant 0 : i32
    %dma_wait3A_59 = tpu.memref_slice %arg2[%dma_wait3A_57, %dma_wait3A_58] : memref<20480x128xf32, #tpu.memory_space<hbm>> -> memref<20480x128xf32, #tpu.memory_space<hbm>>
    tpu.wait_indirect_dma semaphore(%arg12 : memref<!tpu.dma_semaphore, #tpu.memory_space<semaphore_mem>>) src(%dma_wait3A_59 : memref<20480x128xf32, #tpu.memory_space<hbm>>) dst(%arg9 : memref<128x128xf32, #tpu.memory_space<vmem>>)
    %dma_wait3A_60 = arith.constant 1 : i32
    %dma_wait3A_61 = arith.constant 0 : i32
    %dma_wait3A_62 = tpu.memref_slice %arg7[%dma_wait3A_60, %dma_wait3A_61] : memref<42x128xi32, #tpu.memory_space<vmem>> -> memref<1x128xi32, #tpu.memory_space<vmem>>
    %dma_wait3A_63 = tpu.memref_squeeze %dma_wait3A_62 : memref<1x128xi32, #tpu.memory_space<vmem>> -> memref<128xi32, #tpu.memory_space<vmem>>
    %dma_wait3A_64 = arith.constant 0 : i32
    %dma_wait3A_65 = arith.constant 0 : i32
    %dma_wait3A_66 = tpu.memref_slice %arg2[%dma_wait3A_64, %dma_wait3A_65] : memref<20480x128xf32, #tpu.memory_space<hbm>> -> memref<20480x128xf32, #tpu.memory_space<hbm>>
    tpu.wait_indirect_dma semaphore(%arg13 : memref<!tpu.dma_semaphore, #tpu.memory_space<semaphore_mem>>) src(%dma_wait3A_66 : memref<20480x128xf32, #tpu.memory_space<hbm>>) dst(%arg10 : memref<128x128xf32, #tpu.memory_space<vmem>>)
    %barrier3A_67 = arith.constant 0 : index
    tpu.barrier barrier_id(%barrier3A_67)
    "tpu.region"() ({
      %run_scoped3A_68 = tpu.sem_alloc : memref<!tpu.dma_semaphore, #tpu.memory_space<semaphore_mem>>
      %dma_start3A_69 = arith.constant 0 : i32
      %dma_start3A_70 = tpu.memref_slice %arg6[%arg0, %mul3A_0, %dma_start3A_69] : memref<2x10240x128xf32, #tpu.memory_space<hbm>> -> memref<1x640x128xf32, #tpu.memory_space<hbm>>
      %dma_start3A_71 = tpu.memref_squeeze %dma_start3A_70 : memref<1x640x128xf32, #tpu.memory_space<hbm>> -> memref<640x128xf32, #tpu.memory_space<hbm>>
      %dma_start3A_72 = arith.constant 0 : i32
      %dma_start3A_73 = tpu.memref_slice %arg11[%mul3A_0, %dma_start3A_72] : memref<10240x128xf32, #tpu.memory_space<vmem_shared>> -> memref<640x128xf32, #tpu.memory_space<vmem_shared>>
      tpu.enqueue_dma source(%dma_start3A_73 : memref<640x128xf32, #tpu.memory_space<vmem_shared>>) target(%dma_start3A_71 : memref<640x128xf32, #tpu.memory_space<hbm>>) target_semaphore(%run_scoped3A_68 : memref<!tpu.dma_semaphore, #tpu.memory_space<semaphore_mem>>)
      %dma_wait3A_74 = arith.constant 0 : i32
      %dma_wait3A_75 = tpu.memref_slice %arg6[%arg0, %mul3A_0, %dma_wait3A_74] : memref<2x10240x128xf32, #tpu.memory_space<hbm>> -> memref<1x640x128xf32, #tpu.memory_space<hbm>>
      %dma_wait3A_76 = tpu.memref_squeeze %dma_wait3A_75 : memref<1x640x128xf32, #tpu.memory_space<hbm>> -> memref<640x128xf32, #tpu.memory_space<hbm>>
      %dma_wait3A_77 = arith.constant 0 : i32
      %dma_wait3A_78 = tpu.memref_slice %arg11[%mul3A_0, %dma_wait3A_77] : memref<10240x128xf32, #tpu.memory_space<vmem_shared>> -> memref<640x128xf32, #tpu.memory_space<vmem_shared>>
      tpu.wait_dma2 semaphore(%run_scoped3A_68 : memref<!tpu.dma_semaphore, #tpu.memory_space<semaphore_mem>>) src(%dma_wait3A_78 : memref<640x128xf32, #tpu.memory_space<vmem_shared>>) dst(%dma_wait3A_76 : memref<640x128xf32, #tpu.memory_space<hbm>>)
      tpu.yield
    }) : () -> ()
    return
  }
}

module attributes {stable_mosaic.version = 14 : i64} {
  func.func @_m1a_body(%arg0: i32, %arg1: memref<512x256xf32, #tpu.memory_space<vmem>>, %arg2: memref<256x256xf32, #tpu.memory_space<vmem>>, %arg3: memref<512x256xf32, #tpu.memory_space<vmem>>) attributes {dimension_semantics = [#tpu.dimension_semantics<arbitrary>], iteration_bounds = array<i64: 20>, scalar_prefetch = 0 : i64, scratch_operands = 0 : i64, tpu.core_type = #tpu.core_type<tc>, window_params = [{transform_indices = @transform_0, window_bounds = array<i64: 512, 256>}, {pipeline_mode = #tpu.pipeline_mode<synchronous>, transform_indices = @transform_1, window_bounds = array<i64: 256, 256>}, {transform_indices = @transform_2, window_bounds = array<i64: 512, 256>}]} {
    %get3A = arith.constant 0 : index
    %get3A_0 = arith.constant 0 : index
    %get3A_1 = vector.load %arg1[%get3A, %get3A_0] : memref<512x256xf32, #tpu.memory_space<vmem>>, vector<512x256xf32>
    %get3A_2 = arith.constant 0 : index
    %get3A_3 = arith.constant 0 : index
    %get3A_4 = vector.load %arg2[%get3A_2, %get3A_3] : memref<256x256xf32, #tpu.memory_space<vmem>>, vector<256x256xf32>
    %dot_general3A = arith.constant dense<0.000000e+00> : vector<512x256xf32>
    %dot_general3A_5 = tpu.matmul %get3A_1, %get3A_4, %dot_general3A {dimension_numbers = #tpu.dot_dimension_numbers<[1], [0], [0], [1], [0, 0, 1, 1], [], []>, precision = #tpu.contract_precision<fp32>, transpose_lhs_hint = false} : vector<512x256xf32>, vector<256x256xf32>, vector<512x256xf32> -> vector<512x256xf32>
    %swap3A = arith.constant 0 : index
    %swap3A_6 = arith.constant 0 : index
    %swap3A_7 = vector.load %arg3[%swap3A, %swap3A_6] : memref<512x256xf32, #tpu.memory_space<vmem>>, vector<512x256xf32>
    tpu.vector_store %arg3[%swap3A, %swap3A_6], %dot_general3A_5 {strides = array<i32>} : memref<512x256xf32, #tpu.memory_space<vmem>>, vector<512x256xf32>,
    return
  }
  func.func @transform_0(%arg0: i32) -> (i32, i32) {
    %c0_i32 = arith.constant 0 : i32
    %c0_i32_0 = arith.constant 0 : i32
    return %arg0, %c0_i32 : i32, i32
  }
  func.func @transform_1(%arg0: i32) -> (i32, i32) {
    %c0_i32 = arith.constant 0 : i32
    %c0_i32_0 = arith.constant 0 : i32
    %c0_i32_1 = arith.constant 0 : i32
    return %c0_i32, %c0_i32_0 : i32, i32
  }
  func.func @transform_2(%arg0: i32) -> (i32, i32) {
    %c0_i32 = arith.constant 0 : i32
    %c0_i32_0 = arith.constant 0 : i32
    return %arg0, %c0_i32 : i32, i32
  }
}

module attributes {stable_mosaic.version = 14 : i64} {
  func.func @_m1b_body(%arg0: i32, %arg1: memref<512x256xf32, #tpu.memory_space<vmem>>, %arg2: memref<2x512x128xf32, #tpu.memory_space<vmem>>, %arg3: memref<512x256xf32, #tpu.memory_space<vmem>>) attributes {dimension_semantics = [#tpu.dimension_semantics<arbitrary>], iteration_bounds = array<i64: 20>, scalar_prefetch = 0 : i64, scratch_operands = 0 : i64, tpu.core_type = #tpu.core_type<tc>, window_params = [{transform_indices = @transform_0, window_bounds = array<i64: 512, 256>}, {transform_indices = @transform_1, window_bounds = array<i64: 2, 512, 128>}, {transform_indices = @transform_2, window_bounds = array<i64: 512, 256>}]} {
    %get3A = arith.constant 0 : index
    %get3A_0 = arith.constant 0 : index
    %get3A_1 = arith.constant 0 : index
    %get3A_2 = vector.load %arg2[%get3A, %get3A_0, %get3A_1] : memref<2x512x128xf32, #tpu.memory_space<vmem>>, vector<2x512x128xf32>
    %slice3A = vector.extract_strided_slice %get3A_2 {offsets = [0, 0, 0], sizes = [1, 512, 1], strides = [1, 1, 1]} : vector<2x512x128xf32> to vector<1x512x1xf32>
    %squeeze3A = vector.shape_cast %slice3A : vector<1x512x1xf32> to vector<512x1xf32>
    %slice3A_3 = vector.extract_strided_slice %get3A_2 {offsets = [1, 0, 0], sizes = [1, 512, 1], strides = [1, 1, 1]} : vector<2x512x128xf32> to vector<1x512x1xf32>
    %squeeze3A_4 = vector.shape_cast %slice3A_3 : vector<1x512x1xf32> to vector<512x1xf32>
    %add3A = arith.addf %squeeze3A, %squeeze3A_4 : vector<512x1xf32>
    %add3A_5 = arith.constant 1.000000e+00 : f32
    %add3A_6 = vector.broadcast %add3A_5 : f32 to vector<512x1xf32>
    %add3A_7 = arith.addf %add3A, %add3A_6 : vector<512x1xf32>
    %rsqrt3A = math.rsqrt %add3A_7 : vector<512x1xf32>
    %get3A_8 = arith.constant 0 : index
    %get3A_9 = arith.constant 0 : index
    %get3A_10 = vector.load %arg1[%get3A_8, %get3A_9] : memref<512x256xf32, #tpu.memory_space<vmem>>, vector<512x256xf32>
    %mul3A = vector.broadcast %rsqrt3A : vector<512x1xf32> to vector<512x256xf32>
    %mul3A_11 = arith.mulf %mul3A, %get3A_10 : vector<512x256xf32>
    %swap3A = arith.constant 0 : index
    %swap3A_12 = arith.constant 0 : index
    %swap3A_13 = vector.load %arg3[%swap3A, %swap3A_12] : memref<512x256xf32, #tpu.memory_space<vmem>>, vector<512x256xf32>
    tpu.vector_store %arg3[%swap3A, %swap3A_12], %mul3A_11 {strides = array<i32>} : memref<512x256xf32, #tpu.memory_space<vmem>>, vector<512x256xf32>,
    return
  }
  func.func @transform_0(%arg0: i32) -> (i32, i32) {
    %c0_i32 = arith.constant 0 : i32
    %c0_i32_0 = arith.constant 0 : i32
    return %arg0, %c0_i32 : i32, i32
  }
  func.func @transform_1(%arg0: i32) -> (i32, i32, i32) {
    %c0_i32 = arith.constant 0 : i32
    %c0_i32_0 = arith.constant 0 : i32
    %c0_i32_1 = arith.constant 0 : i32
    return %c0_i32, %arg0, %c0_i32_0 : i32, i32, i32
  }
  func.func @transform_2(%arg0: i32) -> (i32, i32) {
    %c0_i32 = arith.constant 0 : i32
    %c0_i32_0 = arith.constant 0 : i32
    return %arg0, %c0_i32 : i32, i32
  }
}

module attributes {stable_mosaic.version = 14 : i64} {
  func.func @_m2_body(%arg0: i32, %arg1: memref<2x512x128xf32, #tpu.memory_space<vmem>>, %arg2: memref<512x256xf32, #tpu.memory_space<vmem>>, %arg3: memref<2x512x128xf32, #tpu.memory_space<vmem>>, %arg4: memref<256x128xf32, #tpu.memory_space<vmem>>, %arg5: memref<1x256xf32, #tpu.memory_space<vmem>>, %arg6: memref<512x128xf32, #tpu.memory_space<vmem>>) attributes {dimension_semantics = [#tpu.dimension_semantics<arbitrary>], iteration_bounds = array<i64: 20>, scalar_prefetch = 0 : i64, scratch_operands = 0 : i64, tpu.core_type = #tpu.core_type<tc>, window_params = [{transform_indices = @transform_0, window_bounds = array<i64: 2, 512, 128>}, {transform_indices = @transform_1, window_bounds = array<i64: 512, 256>}, {transform_indices = @transform_2, window_bounds = array<i64: 2, 512, 128>}, {pipeline_mode = #tpu.pipeline_mode<synchronous>, transform_indices = @transform_3, window_bounds = array<i64: 256, 128>}, {pipeline_mode = #tpu.pipeline_mode<synchronous>, transform_indices = @transform_4, window_bounds = array<i64: 1, 256>}, {transform_indices = @transform_5, window_bounds = array<i64: 512, 128>}]} {
    %get3A = arith.constant 0 : index
    %get3A_0 = arith.constant 0 : index
    %get3A_1 = arith.constant 0 : index
    %get3A_2 = vector.load %arg3[%get3A, %get3A_0, %get3A_1] : memref<2x512x128xf32, #tpu.memory_space<vmem>>, vector<2x512x128xf32>
    %slice3A = vector.extract_strided_slice %get3A_2 {offsets = [0, 0, 0], sizes = [1, 512, 1], strides = [1, 1, 1]} : vector<2x512x128xf32> to vector<1x512x1xf32>
    %squeeze3A = vector.shape_cast %slice3A : vector<1x512x1xf32> to vector<512x1xf32>
    %slice3A_3 = vector.extract_strided_slice %get3A_2 {offsets = [1, 0, 0], sizes = [1, 512, 1], strides = [1, 1, 1]} : vector<2x512x128xf32> to vector<1x512x1xf32>
    %squeeze3A_4 = vector.shape_cast %slice3A_3 : vector<1x512x1xf32> to vector<512x1xf32>
    %add3A = arith.addf %squeeze3A, %squeeze3A_4 : vector<512x1xf32>
    %add3A_5 = arith.constant 1.000000e+00 : f32
    %add3A_6 = vector.broadcast %add3A_5 : f32 to vector<512x1xf32>
    %add3A_7 = arith.addf %add3A, %add3A_6 : vector<512x1xf32>
    %rsqrt3A = math.rsqrt %add3A_7 : vector<512x1xf32>
    %get3A_8 = arith.constant 0 : index
    %get3A_9 = arith.constant 0 : index
    %get3A_10 = arith.constant 0 : index
    %get3A_11 = vector.load %arg1[%get3A_8, %get3A_9, %get3A_10] : memref<2x512x128xf32, #tpu.memory_space<vmem>>, vector<2x512x128xf32>
    %slice3A_12 = vector.extract_strided_slice %get3A_11 {offsets = [0, 0, 0], sizes = [1, 512, 128], strides = [1, 1, 1]} : vector<2x512x128xf32> to vector<1x512x128xf32>
    %squeeze3A_13 = vector.shape_cast %slice3A_12 : vector<1x512x128xf32> to vector<512x128xf32>
    %slice3A_14 = vector.extract_strided_slice %get3A_11 {offsets = [1, 0, 0], sizes = [1, 512, 128], strides = [1, 1, 1]} : vector<2x512x128xf32> to vector<1x512x128xf32>
    %squeeze3A_15 = vector.shape_cast %slice3A_14 : vector<1x512x128xf32> to vector<512x128xf32>
    %concatenate3A = tpu.concatenate %squeeze3A_13, %squeeze3A_15 in 1 : vector<512x128xf32>, vector<512x128xf32> -> vector<512x256xf32>
    %get3A_16 = arith.constant 0 : index
    %get3A_17 = arith.constant 0 : index
    %get3A_18 = vector.load %arg2[%get3A_16, %get3A_17] : memref<512x256xf32, #tpu.memory_space<vmem>>, vector<512x256xf32>
    %add3A_19 = arith.addf %concatenate3A, %get3A_18 : vector<512x256xf32>
    %mul3A = vector.broadcast %rsqrt3A : vector<512x1xf32> to vector<512x256xf32>
    %mul3A_20 = arith.mulf %mul3A, %add3A_19 : vector<512x256xf32>
    %get3A_21 = arith.constant 0 : index
    %get3A_22 = arith.constant 0 : index
    %get3A_23 = vector.load %arg5[%get3A_21, %get3A_22] : memref<1x256xf32, #tpu.memory_space<vmem>>, vector<1x256xf32>
    %add3A_24 = vector.broadcast %get3A_23 : vector<1x256xf32> to vector<512x256xf32>
    %add3A_25 = arith.addf %mul3A_20, %add3A_24 : vector<512x256xf32>
    %max3A = arith.constant 0.000000e+00 : f32
    %max3A_26 = vector.broadcast %max3A : f32 to vector<512x256xf32>
    %max3A_27 = arith.maximumf %add3A_25, %max3A_26 : vector<512x256xf32>
    %get3A_28 = arith.constant 0 : index
    %get3A_29 = arith.constant 0 : index
    %get3A_30 = vector.load %arg4[%get3A_28, %get3A_29] : memref<256x128xf32, #tpu.memory_space<vmem>>, vector<256x128xf32>
    %dot_general3A = arith.constant dense<0.000000e+00> : vector<512x128xf32>
    %dot_general3A_31 = tpu.matmul %max3A_27, %get3A_30, %dot_general3A {dimension_numbers = #tpu.dot_dimension_numbers<[1], [0], [0], [1], [0, 0, 1, 1], [], []>, precision = #tpu.contract_precision<fp32>, transpose_lhs_hint = false} : vector<512x256xf32>, vector<256x128xf32>, vector<512x128xf32> -> vector<512x128xf32>
    %mul3A_32 = vector.broadcast %rsqrt3A : vector<512x1xf32> to vector<512x128xf32>
    %mul3A_33 = arith.mulf %mul3A_32, %dot_general3A_31 : vector<512x128xf32>
    %swap3A = arith.constant 0 : index
    %swap3A_34 = arith.constant 0 : index
    %swap3A_35 = vector.load %arg6[%swap3A, %swap3A_34] : memref<512x128xf32, #tpu.memory_space<vmem>>, vector<512x128xf32>
    tpu.vector_store %arg6[%swap3A, %swap3A_34], %mul3A_33 {strides = array<i32>} : memref<512x128xf32, #tpu.memory_space<vmem>>, vector<512x128xf32>,
    return
  }
  func.func @transform_0(%arg0: i32) -> (i32, i32, i32) {
    %c0_i32 = arith.constant 0 : i32
    %c0_i32_0 = arith.constant 0 : i32
    %c0_i32_1 = arith.constant 0 : i32
    return %c0_i32, %arg0, %c0_i32_0 : i32, i32, i32
  }
  func.func @transform_1(%arg0: i32) -> (i32, i32) {
    %c0_i32 = arith.constant 0 : i32
    %c0_i32_0 = arith.constant 0 : i32
    return %arg0, %c0_i32 : i32, i32
  }
  func.func @transform_2(%arg0: i32) -> (i32, i32, i32) {
    %c0_i32 = arith.constant 0 : i32
    %c0_i32_0 = arith.constant 0 : i32
    %c0_i32_1 = arith.constant 0 : i32
    return %c0_i32, %arg0, %c0_i32_0 : i32, i32, i32
  }
  func.func @transform_3(%arg0: i32) -> (i32, i32) {
    %c0_i32 = arith.constant 0 : i32
    %c0_i32_0 = arith.constant 0 : i32
    %c0_i32_1 = arith.constant 0 : i32
    return %c0_i32, %c0_i32_0 : i32, i32
  }
  func.func @transform_4(%arg0: i32) -> (i32, i32) {
    %c0_i32 = arith.constant 0 : i32
    %c0_i32_0 = arith.constant 0 : i32
    %c0_i32_1 = arith.constant 0 : i32
    return %c0_i32, %c0_i32_0 : i32, i32
  }
  func.func @transform_5(%arg0: i32) -> (i32, i32) {
    %c0_i32 = arith.constant 0 : i32
    %c0_i32_0 = arith.constant 0 : i32
    return %arg0, %c0_i32 : i32, i32
  }
}

module attributes {stable_mosaic.version = 14 : i64} {
  func.func @_e3_body(%arg0: i32, %arg1: memref<2x512x128xf32, #tpu.memory_space<vmem>>, %arg2: memref<512x128xf32, #tpu.memory_space<vmem>>, %arg3: memref<2x512x128xf32, #tpu.memory_space<vmem>>, %arg4: memref<1x128xf32, #tpu.memory_space<vmem>>, %arg5: memref<512x128xf32, #tpu.memory_space<vmem>>) attributes {dimension_semantics = [#tpu.dimension_semantics<arbitrary>], iteration_bounds = array<i64: 20>, scalar_prefetch = 0 : i64, scratch_operands = 0 : i64, tpu.core_type = #tpu.core_type<tc>, window_params = [{transform_indices = @transform_0, window_bounds = array<i64: 2, 512, 128>}, {transform_indices = @transform_1, window_bounds = array<i64: 512, 128>}, {transform_indices = @transform_2, window_bounds = array<i64: 2, 512, 128>}, {pipeline_mode = #tpu.pipeline_mode<synchronous>, transform_indices = @transform_3, window_bounds = array<i64: 1, 128>}, {transform_indices = @transform_4, window_bounds = array<i64: 512, 128>}]} {
    %get3A = arith.constant 0 : index
    %get3A_0 = arith.constant 0 : index
    %get3A_1 = arith.constant 0 : index
    %get3A_2 = vector.load %arg1[%get3A, %get3A_0, %get3A_1] : memref<2x512x128xf32, #tpu.memory_space<vmem>>, vector<2x512x128xf32>
    %get3A_3 = arith.constant 0 : index
    %get3A_4 = arith.constant 0 : index
    %get3A_5 = arith.constant 0 : index
    %get3A_6 = vector.load %arg3[%get3A_3, %get3A_4, %get3A_5] : memref<2x512x128xf32, #tpu.memory_space<vmem>>, vector<2x512x128xf32>
    %slice3A = vector.extract_strided_slice %get3A_6 {offsets = [0, 0, 0], sizes = [1, 512, 1], strides = [1, 1, 1]} : vector<2x512x128xf32> to vector<1x512x1xf32>
    %squeeze3A = vector.shape_cast %slice3A : vector<1x512x1xf32> to vector<512x1xf32>
    %slice3A_7 = vector.extract_strided_slice %get3A_6 {offsets = [1, 0, 0], sizes = [1, 512, 1], strides = [1, 1, 1]} : vector<2x512x128xf32> to vector<1x512x1xf32>
    %squeeze3A_8 = vector.shape_cast %slice3A_7 : vector<1x512x1xf32> to vector<512x1xf32>
    %add3A = arith.addf %squeeze3A, %squeeze3A_8 : vector<512x1xf32>
    %add3A_9 = arith.constant 1.000000e+00 : f32
    %add3A_10 = vector.broadcast %add3A_9 : f32 to vector<512x1xf32>
    %add3A_11 = arith.addf %add3A, %add3A_10 : vector<512x1xf32>
    %rsqrt3A = math.rsqrt %add3A_11 : vector<512x1xf32>
    %slice3A_12 = vector.extract_strided_slice %get3A_2 {offsets = [0, 0, 0], sizes = [1, 512, 128], strides = [1, 1, 1]} : vector<2x512x128xf32> to vector<1x512x128xf32>
    %squeeze3A_13 = vector.shape_cast %slice3A_12 : vector<1x512x128xf32> to vector<512x128xf32>
    %slice3A_14 = vector.extract_strided_slice %get3A_2 {offsets = [1, 0, 0], sizes = [1, 512, 128], strides = [1, 1, 1]} : vector<2x512x128xf32> to vector<1x512x128xf32>
    %squeeze3A_15 = vector.shape_cast %slice3A_14 : vector<1x512x128xf32> to vector<512x128xf32>
    %add3A_16 = arith.addf %squeeze3A_13, %squeeze3A_15 : vector<512x128xf32>
    %get3A_17 = arith.constant 0 : index
    %get3A_18 = arith.constant 0 : index
    %get3A_19 = vector.load %arg2[%get3A_17, %get3A_18] : memref<512x128xf32, #tpu.memory_space<vmem>>, vector<512x128xf32>
    %add3A_20 = arith.addf %add3A_16, %get3A_19 : vector<512x128xf32>
    %mul3A = vector.broadcast %rsqrt3A : vector<512x1xf32> to vector<512x128xf32>
    %mul3A_21 = arith.mulf %mul3A, %add3A_20 : vector<512x128xf32>
    %get3A_22 = arith.constant 0 : index
    %get3A_23 = arith.constant 0 : index
    %get3A_24 = vector.load %arg4[%get3A_22, %get3A_23] : memref<1x128xf32, #tpu.memory_space<vmem>>, vector<1x128xf32>
    %add3A_25 = vector.broadcast %get3A_24 : vector<1x128xf32> to vector<512x128xf32>
    %add3A_26 = arith.addf %mul3A_21, %add3A_25 : vector<512x128xf32>
    %swap3A = arith.constant 0 : index
    %swap3A_27 = arith.constant 0 : index
    %swap3A_28 = vector.load %arg5[%swap3A, %swap3A_27] : memref<512x128xf32, #tpu.memory_space<vmem>>, vector<512x128xf32>
    tpu.vector_store %arg5[%swap3A, %swap3A_27], %add3A_26 {strides = array<i32>} : memref<512x128xf32, #tpu.memory_space<vmem>>, vector<512x128xf32>,
    return
  }
  func.func @transform_0(%arg0: i32) -> (i32, i32, i32) {
    %c0_i32 = arith.constant 0 : i32
    %c0_i32_0 = arith.constant 0 : i32
    %c0_i32_1 = arith.constant 0 : i32
    return %c0_i32, %arg0, %c0_i32_0 : i32, i32, i32
  }
  func.func @transform_1(%arg0: i32) -> (i32, i32) {
    %c0_i32 = arith.constant 0 : i32
    %c0_i32_0 = arith.constant 0 : i32
    return %arg0, %c0_i32 : i32, i32
  }
  func.func @transform_2(%arg0: i32) -> (i32, i32, i32) {
    %c0_i32 = arith.constant 0 : i32
    %c0_i32_0 = arith.constant 0 : i32
    %c0_i32_1 = arith.constant 0 : i32
    return %c0_i32, %arg0, %c0_i32_0 : i32, i32, i32
  }
  func.func @transform_3(%arg0: i32) -> (i32, i32) {
    %c0_i32 = arith.constant 0 : i32
    %c0_i32_0 = arith.constant 0 : i32
    %c0_i32_1 = arith.constant 0 : i32
    return %c0_i32, %c0_i32_0 : i32, i32
  }
  func.func @transform_4(%arg0: i32) -> (i32, i32) {
    %c0_i32 = arith.constant 0 : i32
    %c0_i32_0 = arith.constant 0 : i32
    return %arg0, %c0_i32 : i32, i32
  }
}

</mosaic_0001>

<sc_bundles>
// kernel: kernel.12.cloned.1.call-start
scs
__scs_entry_jumppad:
0x0: {  	(pc) =	sbr.rel $0x88, $3  }
0x1: {  	(tag) =	ssettag $0x0;
	lr =	simm.s32 $0x1  }
0x2: {  	[smem:$0x3F9B] =	sst lr;
	_ =	strace $0xD0000000  }
0x3: {  	_ = 	snop  }
0x4: {  	_ = 	snop  }
0x5: {  	_ = 	snop  }
0x6: {  	_ = 	snop  }
0x7: {  	_ = 	snop  }
__scs_overlays_trampoline_lowered:
0x8: {  	[smem:$0x3FAA] =	sst s0  }
0x9: {  	[smem:$0x3FAB] =	sst s1  }
0xa: {  	[smem:$0x3FAC] =	sst s2  }
0xb: {  	[smem:$0x3FAD] =	sst s3  }
0xc: {  	[smem:$0x3FAE] =	sst s4  }
0xd: {  	[smem:$0x3FAF] =	sst s5  }
0xe: {  	[smem:$0x3FB0] =	sst s6  }
0xf: {  	[smem:$0x3FB1] =	sst s7  }
0x10: {  	[smem:$0x3FB2] =	sst s8  }
0x11: {  	[smem:$0x3FB3] =	sst s9;
	s0 =	simm.s32 @!p0 $0x0  }
0x12: {  	s1 =	sld [smem:$0x3F99];
	s0 =	simm.s32 @p0 $0x1  }
0x13: {  	[smem:$0x3FB4] =	sst s0;
	s0 =	simm.s32 @!p1 $0x0  }
0x14: {  	s2 =	sld [smem:$0x3F98];
	s0 =	simm.s32 @p1 $0x1  }
0x15: {  	[smem:$0x3FB5] =	sst s0;
	s0 =	simm.s32 @!p2 $0x0  }
0x16: {  	s3 =	sld [smem:$0x3FDB];
	s0 =	simm.s32 @p2 $0x1  }
0x17: {  	s4 =	simm.s32 $0x1BF5;
	[smem:$0x3FB7] =	sst s0  }
0x18: {  	s0 =	sld [smem:$0x3F9A];
	_ =	swait.ge [sflag:s4], $0x0  }
0x19: {  	s7 =	sld [smem:$0x3F9B]  }
0x1a: {  	s8 =	sadd.s32 $0xFFFFE003, lr  }
0x1b: {  	s9 =	sadd.s32 $0xFFFFFEF7, lr;
	s5 =	simm.s32 $0xFFFFFFFF;
	p2 =	slt.u32 s8, $0xFFFFF086  }
0x1c: {  	p1 =	slt.u32 s9, $0xF7A;
	s5 =	simm.s32 @!p2 $0x0  }
0x1d: {  	s5 =	simm.s32 @p1 $0x1;
	p0 =	seq.s32 s7, s2  }
0x1e: {  	s7 =	smul.u32 @!p0 $0xF7A, s2;
	p2 =	seq.s32 @!p0 s5, $0x0  }
0x1f: {  	s9 =	smul.u32 $0xF7A, s1;
	s8 =	simm.s32 @!p0 $0x1BF5;
	p2 =	por !p2, p0  }
0x20: {  	[sflag:s8] =	ssyncset.s32 @!p0 $0xFFFFF086;
	s6 =	sadd.s32 @!p0 s3, s7;
	s7 =	simm.s32 @!p0 $0x108  }
0x21: {  	s3 =	sadd.s32 s3, s9;
	s6 =	sadd.s32 @!p0 $0x88, s6;
	s7 =	simm.s32 @p2 $0x1082  }
0x22: {  	[simem:s7], [sflag:s8] =	dma.local @!p0 [hbm:s6], $0xF7A  }
0x23: {  	s9 =	sor.u32 $0xD0000000, s2;
	s6 =	simm.s32 $0x108;
	_ =	swait.ge @!p0 [sflag:s8], $0x0  }
0x24: {  	s3 =	sadd.s32 $0x88, s3;
	s6 =	simm.s32 @!p1 $0x1082;
	[sflag:s4] =	ssyncset.s32 $0xFFFFF086  }
0x25: {  	[simem:s6], [sflag:s4] =	dma.local [hbm:s3], $0xF7A  }
0x26: {  	[smem:$0x3F9B] =	sst s1;
	(tag) =	ssettag s2;
	_ =	strace s9  }
0x27: {  	s1 =	sld [smem:$0x3FAB]  }
0x28: {  	s2 =	sld [smem:$0x3FAC]  }
0x29: {  	s4 =	sld [smem:$0x3FAE]  }
0x2a: {  	p0 =	seq.s32 s5, $0x0;
	s5 =	sld [smem:$0x3FAF]  }
0x2b: {  	s6 =	sld [smem:$0x3FB0]  }
0x2c: {  	s7 =	sld [smem:$0x3FB1]  }
0x2d: {  	s3 =	simm.s32 $0x108;
	s8 =	sld [smem:$0x3FB2]  }
0x2e: {  	s3 =	simm.s32 @!p0 $0x1082;
	s9 =	sld [smem:$0x3FB3]  }
0x2f: {  	lr =	sadd.s32 s0, s3;
	s0 =	sld [smem:$0x3FAA]  }
0x30: {  	s3 =	sld [smem:$0x3FAD]  }
0x31: {  	[smem:$0x3FB6] =	sst s10  }
0x32: {  	s10 =	sld [smem:$0x3FB4];
	_ =	sdelay $0x3  }
0x33: {  	p0 =	seq.s32 s10, $0x1;
	s10 =	sld [smem:$0x3FB6];
	_ =	sdelay $0x3  }
0x34: {  	[smem:$0x3FB6] =	sst s10  }
0x35: {  	s10 =	sld [smem:$0x3FB5];
	_ =	sdelay $0x3  }
0x36: {  	p1 =	seq.s32 s10, $0x1;
	s10 =	sld [smem:$0x3FB6];
	_ =	sdelay $0x3  }
0x37: {  	[smem:$0x3FB6] =	sst s10  }
0x38: {  	s10 =	sld [smem:$0x3FB7]  }
0x39: {  	_ = 	snop;
	(pc) =	sbr.ind lr, $3  }
0x3a: {  	_ = 	snop  }
0x3b: {  	_ = 	snop  }
0x3c: {  	p2 =	seq.s32 s10, $0x1;
	s10 =	sld [smem:$0x3FB6]  }
0x3d: {  	_ =	shalt  }
0x3e: {  	_ =	shalt  }
0x3f: {  	_ =	shalt  }
0x40: {  	_ =	shalt  }
0x41: {  	_ =	shalt  }
0x42: {  	_ =	shalt  }
0x43: {  	_ =	shalt  }
0x44: {  	_ =	shalt  }
0x45: {  	_ =	shalt  }
0x46: {  	_ =	shalt  }
0x47: {  	_ =	shalt  }
0x48: {  	_ =	shalt  }
0x49: {  	_ =	shalt  }
0x4a: {  	_ =	shalt  }
0x4b: {  	_ =	shalt  }
0x4c: {  	_ =	shalt  }
0x4d: {  	_ =	shalt  }
0x4e: {  	_ =	shalt  }
0x4f: {  	_ =	shalt  }
0x50: {  	_ =	shalt  }
0x51: {  	_ =	shalt  }
0x52: {  	_ =	shalt  }
0x53: {  	_ =	shalt  }
0x54: {  	_ =	shalt  }
0x55: {  	_ =	shalt  }
0x56: {  	_ =	shalt  }
0x57: {  	_ =	shalt  }
0x58: {  	_ =	shalt  }
0x59: {  	_ =	shalt  }
0x5a: {  	_ =	shalt  }
0x5b: {  	_ =	shalt  }
0x5c: {  	_ =	shalt  }
0x5d: {  	_ =	shalt  }
0x5e: {  	_ =	shalt  }
0x5f: {  	_ =	shalt  }
0x60: {  	_ =	shalt  }
0x61: {  	_ =	shalt  }
0x62: {  	_ =	shalt  }
0x63: {  	_ =	shalt  }
0x64: {  	_ =	shalt  }
0x65: {  	_ =	shalt  }
0x66: {  	_ =	shalt  }
0x67: {  	_ =	shalt  }
0x68: {  	_ =	shalt  }
0x69: {  	_ =	shalt  }
0x6a: {  	_ =	shalt  }
0x6b: {  	_ =	shalt  }
0x6c: {  	_ =	shalt  }
0x6d: {  	_ =	shalt  }
0x6e: {  	_ =	shalt  }
0x6f: {  	_ =	shalt  }
0x70: {  	_ =	shalt  }
0x71: {  	_ =	shalt  }
0x72: {  	_ =	shalt  }
0x73: {  	_ =	shalt  }
0x74: {  	_ =	shalt  }
0x75: {  	_ =	shalt  }
0x76: {  	_ =	shalt  }
0x77: {  	_ =	shalt  }
0x78: {  	_ =	shalt  }
0x79: {  	_ =	shalt  }
0x7a: {  	_ =	shalt  }
0x7b: {  	_ =	shalt  }
0x7c: {  	_ =	shalt  }
0x7d: {  	_ =	shalt  }
0x7e: {  	_ =	shalt  }
0x7f: {  	_ =	shalt  }
0x80: {  	_ =	shalt  }
0x81: {  	_ =	shalt  }
0x82: {  	_ =	shalt  }
0x83: {  	_ =	shalt  }
0x84: {  	_ =	shalt  }
0x85: {  	_ =	shalt  }
0x86: {  	_ =	shalt  }
0x87: {  	_ =	shalt  }
.Lfunc_end0:
.L_simem_size_0:
called_computation.1_lowered:
.L_overlay_start_0:
0x88: {  	s2 =	sld [smem:$0x3FD9]  }
0x89: {  	s3 =	sld [smem:$0x3FFE];
	_ =	sdelay $0x1  }
0x8a: {  	s1 =	srdreg.scid  }
0x8b: {  	s0 =	sand.u32 $0x1, s1  }
0x8c: {  	s17 =	sshll.u32 s0, $0xA;
	s2 =	sadd.s32 s3, s2  }
0x8d: {  	s2 =	sadd.s32 s2, s17  }
0x8e: {  	[smem:$0x3FC2] =	sst s2  }
0x8f: {  	_ = 	snop  }
0x90: {  	s2 =	sld [smem:$0x3FD0];
	(tm) =	ssettm $0x1  }
0x91: {  	s18 =	sld [smem:$0x3FFB];
	_ =	sdelay $0x3  }
0x92: {  	_ =	strace s18  }
0x93: {  	s3 =	sld [smem:$0x3FFC];
	_ =	sdelay $0x3  }
0x94: {  	_ =	strace s3  }
0x95: {  	s3 =	sld [smem:$0x3FFD];
	_ =	sdelay $0x3  }
0x96: {  	_ =	strace s3  }
0x97: {  	_ =	strace $0x8FFFFFFF  }
0x98: {  	s19 =	sld [smem:$0x3FDB];
	_ =	sdelay $0x1  }
0x99: {  	s4 =	simm.s32 $_scs_section_size  }
0x9a: {  	s5 =	simm.s32 $_size__tile_overlayer_lowered;
	s6 =	simm.s32 $_tile_overlayer_lowered  }
0x9b: {  	s22 =	simm.s32 $0x1BFF;
	s21 =	sshll.u32 s6, $0x1;
	s3 =	sadd.s32 s4, s19  }
0x9c: {  	s7 =	simm.s32 $0x0;
	s20 =	sshll.u32 s5, $0x1;
	s5 =	sadd.s32 s21, s3  }
0x9d: {  	[timem:s7], [sflag:s22] =	dma.local [hbm:s5], s20  }
0x9e: {  	_ =	swait.ge [sflag:s22], s20  }
0x9f: {  	s4 =	ssub.s32 $0x0, s20;
	[sflag:s22] =	ssyncset.done $0x0  }
0xa0: {  	[sflag:s22] =	ssyncadd.s32 s4;
	_ =	sdelay $0x1  }
0xa1: {  	s23 =	simm.s32 $0x1B8B  }
0xa2: {  	_ =	swait.ge [sflag:s23], $0x1  }
0xa3: {  	[sflag:s23] =	ssyncset.done $0x0  }
0xa4: {  	s25 =	simm.s32 $0x1B8E;
	s24 =	sld [smem:$0x3FFE];
	[sflag:s23] =	ssyncadd.s32 $0xFFFFFFFF  }
0xa5: {  	s26 =	simm.s32 $execute0_lowered;
	[smem:$0x3FD2] =	sst s25  }
0xa6: {  	s5 =	sshll.u32 s26, $0x1;
	_ =	strace $0x80000049;
	[dreg:$0x1] =	wrdreg $0xFFFFFFFF  }
0xa7: {  	s28 =	simm.s32 $_size_execute0_lowered;
	s3 =	sadd.s32 s3, s5;
	[dreg:$0x0] =	wrdreg $0x0  }
0xa8: {  	s5 =	sshll.u32 s28, $0x1;
	[dreg:$0x2] =	wrdreg s3  }
0xa9: {  	[dreg:$0x3] =	wrdreg s5  }
0xaa: {  	[dreg:$0x4] =	wrdreg $0xC0  }
0xab: {  	_ =	task [dreg:s7], $0x5FFFF  }
0xac: {  	[dreg:$0x1] =	wrdreg $0xFFFFFFFF  }
0xad: {  	[dreg:$0x0] =	wrdreg $0x60  }
0xae: {  	[dreg:$0x2] =	wrdreg s24  }
0xaf: {  	[dreg:$0x3] =	wrdreg s2  }
0xb0: {  	[dreg:$0x4] =	wrdreg $0xAC000  }
0xb1: {  	[dreg:$0x5] =	wrdreg $0x9  }
0xb2: {  	_ =	task.clear_ibuf [dreg:s7], $0x6FFFF;
	_ =	strace $0x90000049  }
0xb3: {  	s29 =	simm.s32 $0x9;
	_ =	strace $0x8000004B  }
0xb4: {  	_ =	swait.ge [sflag:s29], $0x1  }
0xb5: {  	[sflag:s29] =	ssyncadd.s32 $0xFFFFFFFF  }
0xb6: {  	_ =	strace $0x9000004B  }
0xb7: {  	_ =	sfence  }
0xb8: {  	s30 =	sld [smem:$0x0];
	_ =	sdelay $0x2  }
0xb9: {  	s31 =	sshll.u32 s1, $0xD;
	s1 =	sshrl.u32 s1, $0x2  }
0xba: {  	s3 =	sand.u32 $0x4000, s31;
	s1 =	sadd.s32 s1, s30  }
0xbb: {  	s0 =	sor.u32 s3, s0;
	s1 =	sshll.u32 s1, $0x11  }
0xbc: {  	s0 =	sor.u32 s1, s0  }
0xbd: {  	s0 =	sadd.s32 $0x8F2B, s0  }
0xbe: {  	[sflag:s0] =	ssyncadd.remote.s32 $0x1  }
0xbf: {  	_ =	sfence.sel $0xFFFF  }
0xc0: {  	[dreg:$0x0] =	wrdreg $0xFFFFFFFF;
	(pc) =	sbr.abs _section_cstart, $3  }
0xc1: {  	[dreg:$0x1] =	wrdreg $0xFFFFFFFF  }
0xc2: {  	_ =	task.clear_ibuf [dreg:s7], $0x2FFFF;
	_ =	strace $0x9FFFFFFF  }
0xc3: {  	(tm) =	ssettm $0x7FFFFFFF  }
tec
execute0_lowered:
.L_overlay_start_1:
0x0: {  	(tag) =	ssettag $0x1  }
0x1: {  	s6 =	rddreg [dreg:$0x0]  }
0x2: {  	s0 =	srdreg.scid;
	s7 =	rddreg [dreg:$0x1]  }
0x3: {  	s2 =	rddreg [dreg:$0x2];
	s8 =	sand.u32 $0x1, s0  }
0x4: {  	s0 =	stileid.u32;
	s4 =	smul.u32 $0x28000, s8  }
0x5: {  	s1 =	rddreg [dreg:$0x3];
	s3 =	simm.s32 $0x0;
	s5 =	smul.u32 $0x2800, s0  }
0x6: {  	s15 =	simm.s32 $0x1800;
	s16 =	simm.s32 $0x80;
	s9 =	smul.u32 $0x140000, s8  }
0x7: {  	s17 =	simm.s32 $0x2C00;
	s18 =	simm.s32 $0x6C00;
	s10 =	smul.u32 $0x14000, s0  }
0x8: {  	s19 =	simm.s32 $0x1;
	s20 =	simm.s32 $0x2;
	s12 =	smul.u32 $0x30000, s8  }
0x9: {  	s21 =	simm.s32 $0x0;
	[smem:$0x7FF] =	sst s3;
	s24 =	smul.u32 $0x3000, s0  }
0xa: {  	_ =	strace $0x8000004A;
	s8 =	ssub.s32 $0x2, s8;
	s13 =	smul.u32 $0x50000, s0  }
0xb: {  	s31 =	sshll.u32 s0, $0x6;
	s25 =	sshrl.u32 s8, $0x1;
	s4 =	sadd.s32 s5, s4  }
0xc: {  	s9 =	sadd.s32 s10, s9;
	s26 =	sadd.s32 s24, s12;
	s28 =	ssub.s32 s8, s25  }
0xd: {  	s29 =	sshrl.u32 s13, $0x2;
	s5 =	sshrl.u32 s4, $0x3;
	s4 =	sadd.s32 $0xB5000, s6  }
0xe: {  	s9 =	sshrl.u32 s9, $0x3;
	s30 =	sshrl.u32 s26, $0x3;
	s13 =	sadd.s32 s29, s2  }
0xf: {  	s12 =	smax.u32 s28, $0x1;
	s11 =	sadd.s32 s5, s6;
	s5 =	sadd.s32 $0x8000, s6  }
0x10: {  	s14 =	sadd.s32 s9, s6;
	s6 =	sadd.s32 s7, s30;
	s7 =	sor.u32 $0x1C03, s31  }
0x11: {  	s13 =	sshrl.u32 s13, $0x3;
	s8 =	sadd.s32 $0xAB000, s11;
	s9 =	sadd.s32 $0x300, s6  }
0x12: {  	s10 =	sadd.s32 $0xAB280, s11;
	s11 =	sadd.s32 $0x105000, s14;
	s14 =	simm.s32 $0x3  }
.LBB2_1:
0x13: {  	[spmem:s13], [sflag:s7] =	dma.local [hbm:s5], $0x2800  }
0x14: {  	_ =	swait.ge [sflag:s14], $0x2800  }
0x15: {  	[sflag:s14] =	ssyncset.done $0x0  }
0x16: {  	[sflag:s14] =	ssyncadd.s32 $0xFFFFD800  }
0x17: {  	[bflag:$0x0] =	sbarrier.arrive $0xFFFF  }
0x18: {  	[tilespmem:s3], [sflag:$0x3] =	stream.linear.gather [hbm4b:s6+s3], $0x1500, $0x38;
	[tilespmem:$0x1EC00] =	vst v63  }
0x19: {  	_ =	swait.ge [sflag:s14], $0x1500  }
0x1a: {  	[sflag:s14] =	ssyncset.done $0x0  }
0x1b: {  	[sflag:s14] =	ssyncadd.s32 $0xFFFFEB00  }
0x1c: {  	[tilespmem:s15], [sflag:$0x3] =	stream.linear.gather [hbm4b:s8+s3], $0x1400, $0x38;
	[tilespmem:$0x1EC00] =	vst v63  }
0x1d: {  	_ =	swait.ge [sflag:s14], $0x1400  }
0x1e: {  	[sflag:s14] =	ssyncset.done $0x0  }
0x1f: {  	[sflag:s14] =	ssyncadd.s32 $0xFFFFEC00  }
0x20: {  	[tilespmem:s17], [sflag:$0x1] =	stream.indirect.gather [hbm4b:s4+s16], $0x80, s3, s16, $0xb8;
	[tilespmem:$0x1EC00] =	vst v63  }
0x21: {  	_ = 	snop  }
0x22: {  	[tilespmem:s18], [sflag:$0x2] =	stream.indirect.gather [hbm4b:s4+s16], $0x80, s16, s16, $0xb8;
	[tilespmem:$0x1EC00] =	vst v63  }
0x23: {  	_ =	swait.ge [sflag:s19], $0x4000  }
0x24: {  	[sflag:s19] =	ssyncset.done $0x0  }
0x25: {  	s22 =	simm.s32 $0x1800;
	[sflag:s19] =	ssyncadd.s32 $0xFFFFC000  }
0x26: {  	[spmem:s2] =	stream.indirect.scatter.add.f32 [tilespmem:s17], [sflag:$0x3], $0x80, s22, s16, $0xb8;
	[tilespmem:$0x1EC00] =	vst v63  }
0x27: {  	_ =	swait.ge [sflag:s14], $0x4000  }
0x28: {  	[sflag:s14] =	ssyncset.done $0x0  }
0x29: {  	s30 =	simm.s32 $0x100;
	[sflag:s14] =	ssyncadd.s32 $0xFFFFC000  }
0x2a: {  	[tilespmem:s17], [sflag:$0x1] =	stream.indirect.gather [hbm4b:s4+s16], $0x80, s30, s16, $0xb8;
	[tilespmem:$0x1EC00] =	vst v63  }
0x2b: {  	_ =	swait.ge [sflag:s20], $0x4000  }
0x2c: {  	[sflag:s20] =	ssyncset.done $0x0  }
0x2d: {  	s31 =	simm.s32 $0x1880;
	[sflag:s20] =	ssyncadd.s32 $0xFFFFC000  }
0x2e: {  	[spmem:s2] =	stream.indirect.scatter.add.f32 [tilespmem:s18], [sflag:$0x3], $0x80, s31, s16, $0xb8;
	[tilespmem:$0x1EC00] =	vst v63  }
0x2f: {  	_ =	swait.ge [sflag:s14], $0x4000  }
0x30: {  	[sflag:s14] =	ssyncset.done $0x0  }
0x31: {  	s23 =	simm.s32 $0x180;
	s22 =	simm.s32 $0x400;
	[sflag:s14] =	ssyncadd.s32 $0xFFFFC000  }
.LBB2_2:
0x32: {  	[tilespmem:s18], [sflag:$0x2] =	stream.indirect.gather [hbm4b:s4+s16], $0x80, s23, s16, $0xb8;
	[tilespmem:$0x1EC00] =	vst v63  }
0x33: {  	s23 =	smov.u32 s22  }
0x34: {  	p0 =	sne.s32 s22, $0x4C00;
	s22 =	sadd.s32 $0x400, s22;
	_ =	swait.ge [sflag:s19], $0x4000  }
0x35: {  	s23 =	sshra.s32 s23, $0x2;
	[sflag:s19] =	ssyncset.done $0x0  }
0x36: {  	s24 =	sadd.s32 $0x1800, s23;
	[sflag:s19] =	ssyncadd.s32 $0xFFFFC000  }
0x37: {  	[spmem:s2] =	stream.indirect.scatter.add.f32 [tilespmem:s17], [sflag:$0x3], $0x80, s24, s16, $0xb8;
	[tilespmem:$0x1EC00] =	vst v63  }
0x38: {  	_ =	swait.ge [sflag:s14], $0x4000  }
0x39: {  	[sflag:s14] =	ssyncset.done $0x0  }
0x3a: {  	s24 =	sadd.s32 $0x100, s23;
	[sflag:s14] =	ssyncadd.s32 $0xFFFFC000  }
0x3b: {  	[tilespmem:s17], [sflag:$0x1] =	stream.indirect.gather [hbm4b:s4+s16], $0x80, s24, s16, $0xb8;
	[tilespmem:$0x1EC00] =	vst v63  }
0x3c: {  	_ =	swait.ge [sflag:s20], $0x4000  }
0x3d: {  	[sflag:s20] =	ssyncset.done $0x0  }
.Ltmp0:
0x3e: {  	s24 =	sadd.s32 $0x1880, s23;
	[sflag:s20] =	ssyncadd.s32 $0xFFFFC000;
	(pc) =	sbr.rel @p0 .LBB2_2-.Ltmp0, $4  }
0x3f: {  	[spmem:s2] =	stream.indirect.scatter.add.f32 [tilespmem:s18], [sflag:$0x3], $0x80, s24, s16, $0xb8;
	[tilespmem:$0x1EC00] =	vst v63  }
0x40: {  	_ =	swait.ge [sflag:s14], $0x4000  }
0x41: {  	[sflag:s14] =	ssyncset.done $0x0  }
0x42: {  	s23 =	sadd.s32 $0x180, s23;
	[sflag:s14] =	ssyncadd.s32 $0xFFFFC000  }
0x43: {  	[tilespmem:s18], [sflag:$0x2] =	stream.indirect.gather [hbm4b:s4+s16], $0x80, s23, s16, $0xb8;
	[tilespmem:$0x1EC00] =	vst v63  }
0x44: {  	_ =	swait.ge [sflag:s19], $0x4000  }
0x45: {  	[sflag:s19] =	ssyncset.done $0x0  }
0x46: {  	[sflag:s19] =	ssyncadd.s32 $0xFFFFC000  }
0x47: {  	_ =	swait.ge [sflag:s20], $0x4000  }
0x48: {  	[sflag:s20] =	ssyncset.done $0x0  }
0x49: {  	s22 =	simm.s32 $0x0;
	[sflag:s20] =	ssyncadd.s32 $0xFFFFC000  }
0x4a: {  	[tilespmem:s22], [sflag:$0x3] =	stream.linear.gather [hbm4b:s9+s22], $0x1500, $0x38;
	[tilespmem:$0x1EC00] =	vst v63  }
0x4b: {  	_ =	swait.ge [sflag:s14], $0x1500  }
0x4c: {  	[sflag:s14] =	ssyncset.done $0x0  }
0x4d: {  	[sflag:s14] =	ssyncadd.s32 $0xFFFFEB00  }
0x4e: {  	[tilespmem:s15], [sflag:$0x3] =	stream.linear.gather [hbm4b:s10+s22], $0x1400, $0x38;
	[tilespmem:$0x1EC00] =	vst v63  }
0x4f: {  	_ =	swait.ge [sflag:s14], $0x1400  }
0x50: {  	[sflag:s14] =	ssyncset.done $0x0  }
0x51: {  	[sflag:s14] =	ssyncadd.s32 $0xFFFFEC00  }
0x52: {  	[tilespmem:s17], [sflag:$0x1] =	stream.indirect.gather [hbm4b:s4+s16], $0x80, s22, s16, $0xb8;
	[tilespmem:$0x1EC00] =	vst v63  }
0x53: {  	_ = 	snop  }
0x54: {  	[tilespmem:s18], [sflag:$0x2] =	stream.indirect.gather [hbm4b:s4+s16], $0x80, s16, s16, $0xb8;
	[tilespmem:$0x1EC00] =	vst v63  }
0x55: {  	_ =	swait.ge [sflag:s19], $0x4000  }
0x56: {  	[sflag:s19] =	ssyncset.done $0x0  }
0x57: {  	s29 =	simm.s32 $0x1800;
	[sflag:s19] =	ssyncadd.s32 $0xFFFFC000  }
0x58: {  	[spmem:s2] =	stream.indirect.scatter.add.f32 [tilespmem:s17], [sflag:$0x3], $0x80, s29, s16, $0xb8;
	[tilespmem:$0x1EC00] =	vst v63  }
0x59: {  	_ =	swait.ge [sflag:s14], $0x4000  }
0x5a: {  	[sflag:s14] =	ssyncset.done $0x0  }
0x5b: {  	s30 =	simm.s32 $0x100;
	[sflag:s14] =	ssyncadd.s32 $0xFFFFC000  }
0x5c: {  	[tilespmem:s17], [sflag:$0x1] =	stream.indirect.gather [hbm4b:s4+s16], $0x80, s30, s16, $0xb8;
	[tilespmem:$0x1EC00] =	vst v63  }
0x5d: {  	_ =	swait.ge [sflag:s20], $0x4000  }
0x5e: {  	[sflag:s20] =	ssyncset.done $0x0  }
0x5f: {  	s31 =	simm.s32 $0x1880;
	[sflag:s20] =	ssyncadd.s32 $0xFFFFC000  }
0x60: {  	[spmem:s2] =	stream.indirect.scatter.add.f32 [tilespmem:s18], [sflag:$0x3], $0x80, s31, s16, $0xb8;
	[tilespmem:$0x1EC00] =	vst v63  }
0x61: {  	_ =	swait.ge [sflag:s14], $0x4000  }
0x62: {  	[sflag:s14] =	ssyncset.done $0x0  }
0x63: {  	s23 =	simm.s32 $0x180;
	s22 =	simm.s32 $0x400;
	[sflag:s14] =	ssyncadd.s32 $0xFFFFC000  }
.LBB2_4:
0x64: {  	[tilespmem:s18], [sflag:$0x2] =	stream.indirect.gather [hbm4b:s4+s16], $0x80, s23, s16, $0xb8;
	[tilespmem:$0x1EC00] =	vst v63  }
0x65: {  	s23 =	smov.u32 s22  }
0x66: {  	p0 =	sne.s32 s22, $0x4C00;
	s22 =	sadd.s32 $0x400, s22;
	_ =	swait.ge [sflag:s19], $0x4000  }
0x67: {  	s23 =	sshra.s32 s23, $0x2;
	[sflag:s19] =	ssyncset.done $0x0  }
0x68: {  	s24 =	sadd.s32 $0x1800, s23;
	[sflag:s19] =	ssyncadd.s32 $0xFFFFC000  }
0x69: {  	[spmem:s2] =	stream.indirect.scatter.add.f32 [tilespmem:s17], [sflag:$0x3], $0x80, s24, s16, $0xb8;
	[tilespmem:$0x1EC00] =	vst v63  }
0x6a: {  	_ =	swait.ge [sflag:s14], $0x4000  }
0x6b: {  	[sflag:s14] =	ssyncset.done $0x0  }
0x6c: {  	s24 =	sadd.s32 $0x100, s23;
	[sflag:s14] =	ssyncadd.s32 $0xFFFFC000  }
0x6d: {  	[tilespmem:s17], [sflag:$0x1] =	stream.indirect.gather [hbm4b:s4+s16], $0x80, s24, s16, $0xb8;
	[tilespmem:$0x1EC00] =	vst v63  }
0x6e: {  	_ =	swait.ge [sflag:s20], $0x4000  }
0x6f: {  	[sflag:s20] =	ssyncset.done $0x0  }
.Ltmp1:
0x70: {  	s24 =	sadd.s32 $0x1880, s23;
	[sflag:s20] =	ssyncadd.s32 $0xFFFFC000;
	(pc) =	sbr.rel @p0 .LBB2_4-.Ltmp1, $4  }
0x71: {  	[spmem:s2] =	stream.indirect.scatter.add.f32 [tilespmem:s18], [sflag:$0x3], $0x80, s24, s16, $0xb8;
	[tilespmem:$0x1EC00] =	vst v63  }
0x72: {  	_ =	swait.ge [sflag:s14], $0x4000  }
0x73: {  	[sflag:s14] =	ssyncset.done $0x0  }
0x74: {  	s23 =	sadd.s32 $0x180, s23;
	[sflag:s14] =	ssyncadd.s32 $0xFFFFC000  }
0x75: {  	[tilespmem:s18], [sflag:$0x2] =	stream.indirect.gather [hbm4b:s4+s16], $0x80, s23, s16, $0xb8;
	[tilespmem:$0x1EC00] =	vst v63  }
0x76: {  	_ =	swait.ge [sflag:s19], $0x4000  }
0x77: {  	[sflag:s19] =	ssyncset.done $0x0  }
0x78: {  	[sflag:s19] =	ssyncadd.s32 $0xFFFFC000  }
0x79: {  	_ =	swait.ge [sflag:s20], $0x4000  }
0x7a: {  	s21 =	sadd.s32 $0x1, s21;
	[sflag:s20] =	ssyncset.done $0x0  }
0x7b: {  	p0 =	sne.s32 s21, s12;
	[sflag:s20] =	ssyncadd.s32 $0xFFFFC000  }
.Ltmp2:
0x7c: {  	[bflag:$0x0] =	sbarrier.arrive $0xFFFF;
	(pc) =	sbr.rel @p0 .LBB2_1-.Ltmp2, $4  }
0x7d: {  	[hbm:s11], [sflag:s7] =	dma.local [spmem:s13], $0x2800  }
0x7e: {  	_ =	swait.ge [sflag:s14], $0x2800  }
0x7f: {  	[sflag:s14] =	ssyncset.done $0x0  }
0x80: {  	[sflag:s14] =	ssyncadd.s32 $0xFFFFD800  }
0x81: {  	_ =	sfence.sel $0x180000  }
0x82: {  	[bflag:$0x0] =	sbarrier.arrive $0xFFFF  }
0x83: {  	p0 =	sne.s32 s0, $0x0;
	_ =	strace $0x9000004A  }
0x84: {  	s0 =	sadd.s32 @!p0 $0x100000, s1;
	[bflag:$0x2] =	sbarrier.arrive $0xFFFF  }
0x85: {  	[sflag:s0] =	ssyncadd.tile.s32 @!p0 $0x1;
	_ =	shalt  }
.Lfunc_end2:
_tile_overlayer_lowered:
.L_overlay_start_2:
0x86: {  	(tag) =	ssettag $0x2  }
0x87: {  	s0 =	rddreg [dreg:$0x0];
	s2 =	stileid.u32  }
0x88: {  	s1 =	rddreg [dreg:$0x1];
	p0 =	sne.s32 s2, $0x0  }
0x89: {  	s3 =	rddreg [dreg:$0x2];
	[bflag:$0x3] =	sbarrier.arrive $0xFFFF;
	s2 =	simm.s32 @!p0 $0x1C03  }
0x8a: {  	[timem:s3], [sflag:s2] =	dma.local @!p0 [hbm:s0], s1  }
0x8b: {  	s0 =	simm.s32 @!p0 $0x3  }
0x8c: {  	_ =	swait.ge @!p0 [sflag:s0], s1  }
0x8d: {  	s1 =	ssub.s32 @!p0 $0x0, s1;
	[sflag:s0] =	ssyncset.done @!p0 $0x0  }
0x8e: {  	[sflag:s0] =	ssyncadd.s32 @!p0 s1  }
0x8f: {  	[bflag:$0x3] =	sbarrier.arrive $0xFFFF  }
0x90: {  	_ =	shalt  }

// kernel: kernel.15.cloned.1.call-start
scs
__scs_entry_jumppad:
0x0: {  	(pc) =	sbr.rel $0x88, $3  }
0x1: {  	(tag) =	ssettag $0x0;
	lr =	simm.s32 $0x1  }
0x2: {  	[smem:$0x3F9B] =	sst lr;
	_ =	strace $0xD0000000  }
0x3: {  	_ = 	snop  }
0x4: {  	_ = 	snop  }
0x5: {  	_ = 	snop  }
0x6: {  	_ = 	snop  }
0x7: {  	_ = 	snop  }
__scs_overlays_trampoline_lowered:
0x8: {  	[smem:$0x3FAA] =	sst s0  }
0x9: {  	[smem:$0x3FAB] =	sst s1  }
0xa: {  	[smem:$0x3FAC] =	sst s2  }
0xb: {  	[smem:$0x3FAD] =	sst s3  }
0xc: {  	[smem:$0x3FAE] =	sst s4  }
0xd: {  	[smem:$0x3FAF] =	sst s5  }
0xe: {  	[smem:$0x3FB0] =	sst s6  }
0xf: {  	[smem:$0x3FB1] =	sst s7  }
0x10: {  	[smem:$0x3FB2] =	sst s8  }
0x11: {  	[smem:$0x3FB3] =	sst s9;
	s0 =	simm.s32 @!p0 $0x0  }
0x12: {  	s1 =	sld [smem:$0x3F99];
	s0 =	simm.s32 @p0 $0x1  }
0x13: {  	[smem:$0x3FB4] =	sst s0;
	s0 =	simm.s32 @!p1 $0x0  }
0x14: {  	s2 =	sld [smem:$0x3F98];
	s0 =	simm.s32 @p1 $0x1  }
0x15: {  	[smem:$0x3FB5] =	sst s0;
	s0 =	simm.s32 @!p2 $0x0  }
0x16: {  	s3 =	sld [smem:$0x3FDB];
	s0 =	simm.s32 @p2 $0x1  }
0x17: {  	s4 =	simm.s32 $0x1BF5;
	[smem:$0x3FB7] =	sst s0  }
0x18: {  	s0 =	sld [smem:$0x3F9A];
	_ =	swait.ge [sflag:s4], $0x0  }
0x19: {  	s7 =	sld [smem:$0x3F9B]  }
0x1a: {  	s8 =	sadd.s32 $0xFFFFE003, lr  }
0x1b: {  	s9 =	sadd.s32 $0xFFFFFEF7, lr;
	s5 =	simm.s32 $0xFFFFFFFF;
	p2 =	slt.u32 s8, $0xFFFFF086  }
0x1c: {  	p1 =	slt.u32 s9, $0xF7A;
	s5 =	simm.s32 @!p2 $0x0  }
0x1d: {  	s5 =	simm.s32 @p1 $0x1;
	p0 =	seq.s32 s7, s2  }
0x1e: {  	s7 =	smul.u32 @!p0 $0xF7A, s2;
	p2 =	seq.s32 @!p0 s5, $0x0  }
0x1f: {  	s9 =	smul.u32 $0xF7A, s1;
	s8 =	simm.s32 @!p0 $0x1BF5;
	p2 =	por !p2, p0  }
0x20: {  	[sflag:s8] =	ssyncset.s32 @!p0 $0xFFFFF086;
	s6 =	sadd.s32 @!p0 s3, s7;
	s7 =	simm.s32 @!p0 $0x108  }
0x21: {  	s3 =	sadd.s32 s3, s9;
	s6 =	sadd.s32 @!p0 $0x88, s6;
	s7 =	simm.s32 @p2 $0x1082  }
0x22: {  	[simem:s7], [sflag:s8] =	dma.local @!p0 [hbm:s6], $0xF7A  }
0x23: {  	s9 =	sor.u32 $0xD0000000, s2;
	s6 =	simm.s32 $0x108;
	_ =	swait.ge @!p0 [sflag:s8], $0x0  }
0x24: {  	s3 =	sadd.s32 $0x88, s3;
	s6 =	simm.s32 @!p1 $0x1082;
	[sflag:s4] =	ssyncset.s32 $0xFFFFF086  }
0x25: {  	[simem:s6], [sflag:s4] =	dma.local [hbm:s3], $0xF7A  }
0x26: {  	[smem:$0x3F9B] =	sst s1;
	(tag) =	ssettag s2;
	_ =	strace s9  }
0x27: {  	s1 =	sld [smem:$0x3FAB]  }
0x28: {  	s2 =	sld [smem:$0x3FAC]  }
0x29: {  	s4 =	sld [smem:$0x3FAE]  }
0x2a: {  	p0 =	seq.s32 s5, $0x0;
	s5 =	sld [smem:$0x3FAF]  }
0x2b: {  	s6 =	sld [smem:$0x3FB0]  }
0x2c: {  	s7 =	sld [smem:$0x3FB1]  }
0x2d: {  	s3 =	simm.s32 $0x108;
	s8 =	sld [smem:$0x3FB2]  }
0x2e: {  	s3 =	simm.s32 @!p0 $0x1082;
	s9 =	sld [smem:$0x3FB3]  }
0x2f: {  	lr =	sadd.s32 s0, s3;
	s0 =	sld [smem:$0x3FAA]  }
0x30: {  	s3 =	sld [smem:$0x3FAD]  }
0x31: {  	[smem:$0x3FB6] =	sst s10  }
0x32: {  	s10 =	sld [smem:$0x3FB4];
	_ =	sdelay $0x3  }
0x33: {  	p0 =	seq.s32 s10, $0x1;
	s10 =	sld [smem:$0x3FB6];
	_ =	sdelay $0x3  }
0x34: {  	[smem:$0x3FB6] =	sst s10  }
0x35: {  	s10 =	sld [smem:$0x3FB5];
	_ =	sdelay $0x3  }
0x36: {  	p1 =	seq.s32 s10, $0x1;
	s10 =	sld [smem:$0x3FB6];
	_ =	sdelay $0x3  }
0x37: {  	[smem:$0x3FB6] =	sst s10  }
0x38: {  	s10 =	sld [smem:$0x3FB7]  }
0x39: {  	_ = 	snop;
	(pc) =	sbr.ind lr, $3  }
0x3a: {  	_ = 	snop  }
0x3b: {  	_ = 	snop  }
0x3c: {  	p2 =	seq.s32 s10, $0x1;
	s10 =	sld [smem:$0x3FB6]  }
0x3d: {  	_ =	shalt  }
0x3e: {  	_ =	shalt  }
0x3f: {  	_ =	shalt  }
0x40: {  	_ =	shalt  }
0x41: {  	_ =	shalt  }
0x42: {  	_ =	shalt  }
0x43: {  	_ =	shalt  }
0x44: {  	_ =	shalt  }
0x45: {  	_ =	shalt  }
0x46: {  	_ =	shalt  }
0x47: {  	_ =	shalt  }
0x48: {  	_ =	shalt  }
0x49: {  	_ =	shalt  }
0x4a: {  	_ =	shalt  }
0x4b: {  	_ =	shalt  }
0x4c: {  	_ =	shalt  }
0x4d: {  	_ =	shalt  }
0x4e: {  	_ =	shalt  }
0x4f: {  	_ =	shalt  }
0x50: {  	_ =	shalt  }
0x51: {  	_ =	shalt  }
0x52: {  	_ =	shalt  }
0x53: {  	_ =	shalt  }
0x54: {  	_ =	shalt  }
0x55: {  	_ =	shalt  }
0x56: {  	_ =	shalt  }
0x57: {  	_ =	shalt  }
0x58: {  	_ =	shalt  }
0x59: {  	_ =	shalt  }
0x5a: {  	_ =	shalt  }
0x5b: {  	_ =	shalt  }
0x5c: {  	_ =	shalt  }
0x5d: {  	_ =	shalt  }
0x5e: {  	_ =	shalt  }
0x5f: {  	_ =	shalt  }
0x60: {  	_ =	shalt  }
0x61: {  	_ =	shalt  }
0x62: {  	_ =	shalt  }
0x63: {  	_ =	shalt  }
0x64: {  	_ =	shalt  }
0x65: {  	_ =	shalt  }
0x66: {  	_ =	shalt  }
0x67: {  	_ =	shalt  }
0x68: {  	_ =	shalt  }
0x69: {  	_ =	shalt  }
0x6a: {  	_ =	shalt  }
0x6b: {  	_ =	shalt  }
0x6c: {  	_ =	shalt  }
0x6d: {  	_ =	shalt  }
0x6e: {  	_ =	shalt  }
0x6f: {  	_ =	shalt  }
0x70: {  	_ =	shalt  }
0x71: {  	_ =	shalt  }
0x72: {  	_ =	shalt  }
0x73: {  	_ =	shalt  }
0x74: {  	_ =	shalt  }
0x75: {  	_ =	shalt  }
0x76: {  	_ =	shalt  }
0x77: {  	_ =	shalt  }
0x78: {  	_ =	shalt  }
0x79: {  	_ =	shalt  }
0x7a: {  	_ =	shalt  }
0x7b: {  	_ =	shalt  }
0x7c: {  	_ =	shalt  }
0x7d: {  	_ =	shalt  }
0x7e: {  	_ =	shalt  }
0x7f: {  	_ =	shalt  }
0x80: {  	_ =	shalt  }
0x81: {  	_ =	shalt  }
0x82: {  	_ =	shalt  }
0x83: {  	_ =	shalt  }
0x84: {  	_ =	shalt  }
0x85: {  	_ =	shalt  }
0x86: {  	_ =	shalt  }
0x87: {  	_ =	shalt  }
.Lfunc_end0:
.L_simem_size_0:
called_computation.2_lowered:
.L_overlay_start_0:
0x88: {  	s2 =	sld [smem:$0x3FD9]  }
0x89: {  	s3 =	sld [smem:$0x3FFE];
	_ =	sdelay $0x1  }
0x8a: {  	s1 =	srdreg.scid  }
0x8b: {  	s0 =	sand.u32 $0x1, s1  }
0x8c: {  	s16 =	sshll.u32 s0, $0xA;
	s2 =	sadd.s32 s3, s2  }
0x8d: {  	s2 =	sadd.s32 s2, s16  }
0x8e: {  	[smem:$0x3FC2] =	sst s2  }
0x8f: {  	_ = 	snop  }
0x90: {  	(tm) =	ssettm $0x1  }
0x91: {  	s17 =	sld [smem:$0x3FFB];
	_ =	sdelay $0x3  }
0x92: {  	_ =	strace s17  }
0x93: {  	s2 =	sld [smem:$0x3FFC];
	_ =	sdelay $0x3  }
0x94: {  	_ =	strace s2  }
0x95: {  	s2 =	sld [smem:$0x3FFD];
	_ =	sdelay $0x3  }
0x96: {  	_ =	strace s2  }
0x97: {  	_ =	strace $0x8FFFFFFF  }
0x98: {  	s18 =	sld [smem:$0x3FDB];
	_ =	sdelay $0x1  }
0x99: {  	s19 =	simm.s32 $_scs_section_size  }
0x9a: {  	s4 =	simm.s32 $_size__tile_overlayer_lowered;
	s5 =	simm.s32 $_tile_overlayer_lowered  }
0x9b: {  	s22 =	simm.s32 $0x1BFF;
	s21 =	sshll.u32 s5, $0x1;
	s2 =	sadd.s32 s19, s18  }
0x9c: {  	s6 =	simm.s32 $0x0;
	s20 =	sshll.u32 s4, $0x1;
	s4 =	sadd.s32 s21, s2  }
0x9d: {  	[timem:s6], [sflag:s22] =	dma.local [hbm:s4], s20  }
0x9e: {  	_ =	swait.ge [sflag:s22], s20  }
0x9f: {  	s3 =	ssub.s32 $0x0, s20;
	[sflag:s22] =	ssyncset.done $0x0  }
0xa0: {  	[sflag:s22] =	ssyncadd.s32 s3;
	_ =	sdelay $0x1  }
0xa1: {  	s23 =	simm.s32 $0x1B8B  }
0xa2: {  	_ =	swait.ge [sflag:s23], $0x1  }
0xa3: {  	[sflag:s23] =	ssyncset.done $0x0  }
0xa4: {  	s25 =	simm.s32 $0x1B8E;
	s24 =	sld [smem:$0x3FFE];
	[sflag:s23] =	ssyncadd.s32 $0xFFFFFFFF  }
0xa5: {  	s26 =	simm.s32 $execute0_lowered;
	[smem:$0x3FD2] =	sst s25  }
0xa6: {  	s4 =	sshll.u32 s26, $0x1;
	_ =	strace $0x8000004C;
	[dreg:$0x1] =	wrdreg $0xFFFFFFFF  }
0xa7: {  	s28 =	simm.s32 $_size_execute0_lowered;
	s2 =	sadd.s32 s2, s4;
	[dreg:$0x0] =	wrdreg $0x0  }
0xa8: {  	s4 =	sshll.u32 s28, $0x1;
	[dreg:$0x2] =	wrdreg s2  }
0xa9: {  	[dreg:$0x3] =	wrdreg s4  }
0xaa: {  	[dreg:$0x4] =	wrdreg $0xC0  }
0xab: {  	_ =	task [dreg:s6], $0x5FFFF  }
0xac: {  	[dreg:$0x1] =	wrdreg $0xFFFFFFFF  }
0xad: {  	[dreg:$0x0] =	wrdreg $0x60  }
0xae: {  	[dreg:$0x2] =	wrdreg s24  }
0xaf: {  	[dreg:$0x3] =	wrdreg $0xAC000  }
0xb0: {  	[dreg:$0x4] =	wrdreg $0x9  }
0xb1: {  	_ =	task.clear_ibuf [dreg:s6], $0x5FFFF;
	_ =	strace $0x9000004C  }
0xb2: {  	s29 =	simm.s32 $0x9;
	_ =	strace $0x8000004E  }
0xb3: {  	_ =	swait.ge [sflag:s29], $0x1  }
0xb4: {  	[sflag:s29] =	ssyncadd.s32 $0xFFFFFFFF  }
0xb5: {  	_ =	strace $0x9000004E  }
0xb6: {  	_ =	sfence  }
0xb7: {  	s30 =	sld [smem:$0x0];
	_ =	sdelay $0x2  }
0xb8: {  	s31 =	sshll.u32 s1, $0xD;
	s1 =	sshrl.u32 s1, $0x2  }
0xb9: {  	s3 =	sand.u32 $0x4000, s31;
	s1 =	sadd.s32 s1, s30  }
0xba: {  	s0 =	sor.u32 s3, s0;
	s1 =	sshll.u32 s1, $0x11  }
0xbb: {  	s0 =	sor.u32 s1, s0  }
0xbc: {  	s0 =	sadd.s32 $0x8F2B, s0  }
0xbd: {  	[sflag:s0] =	ssyncadd.remote.s32 $0x1  }
0xbe: {  	_ =	sfence.sel $0xFFFF  }
0xbf: {  	[dreg:$0x0] =	wrdreg $0xFFFFFFFF;
	(pc) =	sbr.abs _section_cstart, $3  }
0xc0: {  	[dreg:$0x1] =	wrdreg $0xFFFFFFFF  }
0xc1: {  	_ =	task.clear_ibuf [dreg:s6], $0x2FFFF;
	_ =	strace $0x9FFFFFFF  }
0xc2: {  	(tm) =	ssettm $0x7FFFFFFF  }
0xc3: {  	_ =	shalt  }
tec
execute0_lowered:
.L_overlay_start_1:
0x0: {  	(tag) =	ssettag $0x1  }
0x1: {  	s6 =	rddreg [dreg:$0x0]  }
0x2: {  	s0 =	srdreg.scid;
	s2 =	rddreg [dreg:$0x1]  }
0x3: {  	s1 =	rddreg [dreg:$0x2];
	s5 =	sand.u32 $0x1, s0  }
0x4: {  	s3 =	simm.s32 $0x0;
	s0 =	stileid.u32;
	s4 =	smul.u32 $0x18000, s5  }
0x5: {  	s13 =	simm.s32 $0x1800;
	s14 =	simm.s32 $0x80;
	s7 =	smul.u32 $0x1800, s0  }
0x6: {  	s15 =	simm.s32 $0x2C00;
	s16 =	simm.s32 $0x6C00;
	s8 =	smul.u32 $0x14000, s5  }
0x7: {  	s17 =	simm.s32 $0x1;
	s18 =	simm.s32 $0x2;
	s9 =	smul.u32 $0x1400, s0  }
0x8: {  	s19 =	simm.s32 $0x0;
	[smem:$0x7FF] =	sst s3;
	s10 =	smul.u32 $0x140000, s5  }
0x9: {  	_ =	strace $0x8000004D;
	s26 =	smul.u32 $0x14000, s0;
	s28 =	ssub.s32 $0x2, s5  }
0xa: {  	s11 =	smul.u32 $0x50000, s0;
	s5 =	sadd.s32 $0x8000, s6;
	s31 =	sshll.u32 s0, $0x6  }
0xb: {  	s29 =	sshrl.u32 s28, $0x1;
	s7 =	sadd.s32 s7, s4;
	s8 =	sadd.s32 s9, s8  }
0xc: {  	s4 =	sadd.s32 $0x5B000, s6;
	s9 =	sadd.s32 s26, s10;
	s10 =	ssub.s32 s28, s29  }
0xd: {  	s30 =	sshrl.u32 s11, $0x2;
	s7 =	sshrl.u32 s7, $0x3;
	s8 =	sshrl.u32 s8, $0x3  }
0xe: {  	s9 =	sshrl.u32 s9, $0x3;
	s12 =	sadd.s32 s30, s2;
	s10 =	smax.u32 s10, $0x1  }
0xf: {  	s7 =	sadd.s32 s7, s6;
	s8 =	sadd.s32 s8, s6;
	s9 =	sadd.s32 s9, s6  }
0x10: {  	s6 =	sor.u32 $0x1C03, s31;
	s11 =	sshrl.u32 s12, $0x3;
	s12 =	simm.s32 $0x3  }
0x11: {  	s7 =	sadd.s32 $0x155000, s7;
	s8 =	sadd.s32 $0x3000, s8;
	s9 =	sadd.s32 $0x83000, s9  }
.LBB2_1:
0x12: {  	[spmem:s11], [sflag:s6] =	dma.local [hbm:s5], $0x2800  }
0x13: {  	_ =	swait.ge [sflag:s12], $0x2800  }
0x14: {  	[sflag:s12] =	ssyncset.done $0x0  }
0x15: {  	[sflag:s12] =	ssyncadd.s32 $0xFFFFD800  }
0x16: {  	[bflag:$0x0] =	sbarrier.arrive $0xFFFF  }
0x17: {  	[tilespmem:s3], [sflag:$0x3] =	stream.linear.gather [hbm4b:s7+s3], $0x1500, $0x38;
	[tilespmem:$0x1EC00] =	vst v63  }
0x18: {  	_ =	swait.ge [sflag:s12], $0x1500  }
0x19: {  	[sflag:s12] =	ssyncset.done $0x0  }
0x1a: {  	[sflag:s12] =	ssyncadd.s32 $0xFFFFEB00  }
0x1b: {  	[tilespmem:s13], [sflag:$0x3] =	stream.linear.gather [hbm4b:s8+s3], $0x1400, $0x38;
	[tilespmem:$0x1EC00] =	vst v63  }
0x1c: {  	_ =	swait.ge [sflag:s12], $0x1400  }
0x1d: {  	[sflag:s12] =	ssyncset.done $0x0  }
0x1e: {  	[sflag:s12] =	ssyncadd.s32 $0xFFFFEC00  }
0x1f: {  	[tilespmem:s15], [sflag:$0x1] =	stream.indirect.gather [hbm4b:s4+s14], $0x80, s3, s14, $0xb8;
	[tilespmem:$0x1EC00] =	vst v63  }
0x20: {  	_ = 	snop  }
0x21: {  	[tilespmem:s16], [sflag:$0x2] =	stream.indirect.gather [hbm4b:s4+s14], $0x80, s14, s14, $0xb8;
	[tilespmem:$0x1EC00] =	vst v63  }
0x22: {  	_ =	swait.ge [sflag:s17], $0x4000  }
0x23: {  	[sflag:s17] =	ssyncset.done $0x0  }
0x24: {  	s20 =	simm.s32 $0x1800;
	[sflag:s17] =	ssyncadd.s32 $0xFFFFC000  }
0x25: {  	[spmem:s2] =	stream.indirect.scatter.add.f32 [tilespmem:s15], [sflag:$0x3], $0x80, s20, s14, $0xb8;
	[tilespmem:$0x1EC00] =	vst v63  }
0x26: {  	_ =	swait.ge [sflag:s12], $0x4000  }
0x27: {  	[sflag:s12] =	ssyncset.done $0x0  }
0x28: {  	s30 =	simm.s32 $0x100;
	[sflag:s12] =	ssyncadd.s32 $0xFFFFC000  }
0x29: {  	[tilespmem:s15], [sflag:$0x1] =	stream.indirect.gather [hbm4b:s4+s14], $0x80, s30, s14, $0xb8;
	[tilespmem:$0x1EC00] =	vst v63  }
0x2a: {  	_ =	swait.ge [sflag:s18], $0x4000  }
0x2b: {  	[sflag:s18] =	ssyncset.done $0x0  }
0x2c: {  	s31 =	simm.s32 $0x1880;
	[sflag:s18] =	ssyncadd.s32 $0xFFFFC000  }
0x2d: {  	[spmem:s2] =	stream.indirect.scatter.add.f32 [tilespmem:s16], [sflag:$0x3], $0x80, s31, s14, $0xb8;
	[tilespmem:$0x1EC00] =	vst v63  }
0x2e: {  	_ =	swait.ge [sflag:s12], $0x4000  }
0x2f: {  	[sflag:s12] =	ssyncset.done $0x0  }
0x30: {  	s21 =	simm.s32 $0x180;
	s20 =	simm.s32 $0x400;
	[sflag:s12] =	ssyncadd.s32 $0xFFFFC000  }
.LBB2_2:
0x31: {  	[tilespmem:s16], [sflag:$0x2] =	stream.indirect.gather [hbm4b:s4+s14], $0x80, s21, s14, $0xb8;
	[tilespmem:$0x1EC00] =	vst v63  }
0x32: {  	s21 =	smov.u32 s20  }
0x33: {  	p0 =	sne.s32 s20, $0x4C00;
	s20 =	sadd.s32 $0x400, s20;
	_ =	swait.ge [sflag:s17], $0x4000  }
0x34: {  	s21 =	sshra.s32 s21, $0x2;
	[sflag:s17] =	ssyncset.done $0x0  }
0x35: {  	s22 =	sadd.s32 $0x1800, s21;
	[sflag:s17] =	ssyncadd.s32 $0xFFFFC000  }
0x36: {  	[spmem:s2] =	stream.indirect.scatter.add.f32 [tilespmem:s15], [sflag:$0x3], $0x80, s22, s14, $0xb8;
	[tilespmem:$0x1EC00] =	vst v63  }
0x37: {  	_ =	swait.ge [sflag:s12], $0x4000  }
0x38: {  	[sflag:s12] =	ssyncset.done $0x0  }
0x39: {  	s22 =	sadd.s32 $0x100, s21;
	[sflag:s12] =	ssyncadd.s32 $0xFFFFC000  }
0x3a: {  	[tilespmem:s15], [sflag:$0x1] =	stream.indirect.gather [hbm4b:s4+s14], $0x80, s22, s14, $0xb8;
	[tilespmem:$0x1EC00] =	vst v63  }
0x3b: {  	_ =	swait.ge [sflag:s18], $0x4000  }
0x3c: {  	[sflag:s18] =	ssyncset.done $0x0  }
.Ltmp0:
0x3d: {  	s22 =	sadd.s32 $0x1880, s21;
	[sflag:s18] =	ssyncadd.s32 $0xFFFFC000;
	(pc) =	sbr.rel @p0 .LBB2_2-.Ltmp0, $4  }
0x3e: {  	[spmem:s2] =	stream.indirect.scatter.add.f32 [tilespmem:s16], [sflag:$0x3], $0x80, s22, s14, $0xb8;
	[tilespmem:$0x1EC00] =	vst v63  }
0x3f: {  	_ =	swait.ge [sflag:s12], $0x4000  }
0x40: {  	[sflag:s12] =	ssyncset.done $0x0  }
0x41: {  	s21 =	sadd.s32 $0x180, s21;
	[sflag:s12] =	ssyncadd.s32 $0xFFFFC000  }
0x42: {  	[tilespmem:s16], [sflag:$0x2] =	stream.indirect.gather [hbm4b:s4+s14], $0x80, s21, s14, $0xb8;
	[tilespmem:$0x1EC00] =	vst v63  }
0x43: {  	_ =	swait.ge [sflag:s17], $0x4000  }
0x44: {  	[sflag:s17] =	ssyncset.done $0x0  }
0x45: {  	[sflag:s17] =	ssyncadd.s32 $0xFFFFC000  }
0x46: {  	_ =	swait.ge [sflag:s18], $0x4000  }
0x47: {  	s19 =	sadd.s32 $0x1, s19;
	[sflag:s18] =	ssyncset.done $0x0  }
0x48: {  	p0 =	sne.s32 s19, s10;
	[sflag:s18] =	ssyncadd.s32 $0xFFFFC000  }
.Ltmp1:
0x49: {  	[bflag:$0x0] =	sbarrier.arrive $0xFFFF;
	(pc) =	sbr.rel @p0 .LBB2_1-.Ltmp1, $4  }
0x4a: {  	[hbm:s9], [sflag:s6] =	dma.local [spmem:s11], $0x2800  }
0x4b: {  	_ =	swait.ge [sflag:s12], $0x2800  }
0x4c: {  	[sflag:s12] =	ssyncset.done $0x0  }
0x4d: {  	[sflag:s12] =	ssyncadd.s32 $0xFFFFD800  }
0x4e: {  	_ =	sfence.sel $0x180000  }
0x4f: {  	[bflag:$0x0] =	sbarrier.arrive $0xFFFF  }
0x50: {  	p0 =	sne.s32 s0, $0x0;
	_ =	strace $0x9000004D  }
0x51: {  	s0 =	sadd.s32 @!p0 $0x100000, s1;
	[bflag:$0x2] =	sbarrier.arrive $0xFFFF  }
0x52: {  	[sflag:s0] =	ssyncadd.tile.s32 @!p0 $0x1;
	_ =	shalt  }
.Lfunc_end2:
_tile_overlayer_lowered:
.L_overlay_start_2:
0x53: {  	(tag) =	ssettag $0x2  }
0x54: {  	s0 =	rddreg [dreg:$0x0];
	s2 =	stileid.u32  }
0x55: {  	s1 =	rddreg [dreg:$0x1];
	p0 =	sne.s32 s2, $0x0  }
0x56: {  	s3 =	rddreg [dreg:$0x2];
	[bflag:$0x3] =	sbarrier.arrive $0xFFFF;
	s2 =	simm.s32 @!p0 $0x1C03  }
0x57: {  	[timem:s3], [sflag:s2] =	dma.local @!p0 [hbm:s0], s1  }
0x58: {  	s0 =	simm.s32 @!p0 $0x3  }
0x59: {  	_ =	swait.ge @!p0 [sflag:s0], s1  }
0x5a: {  	s1 =	ssub.s32 @!p0 $0x0, s1;
	[sflag:s0] =	ssyncset.done @!p0 $0x0  }
0x5b: {  	[sflag:s0] =	ssyncadd.s32 @!p0 s1  }
0x5c: {  	[bflag:$0x3] =	sbarrier.arrive $0xFFFF  }
0x5d: {  	_ =	shalt  }

// kernel: kernel.9.cloned.1.call-start
scs
__scs_entry_jumppad:
0x0: {  	(pc) =	sbr.rel $0x88, $3  }
0x1: {  	(tag) =	ssettag $0x0;
	lr =	simm.s32 $0x1  }
0x2: {  	[smem:$0x3F9B] =	sst lr;
	_ =	strace $0xD0000000  }
0x3: {  	_ = 	snop  }
0x4: {  	_ = 	snop  }
0x5: {  	_ = 	snop  }
0x6: {  	_ = 	snop  }
0x7: {  	_ = 	snop  }
__scs_overlays_trampoline_lowered:
0x8: {  	[smem:$0x3FAA] =	sst s0  }
0x9: {  	[smem:$0x3FAB] =	sst s1  }
0xa: {  	[smem:$0x3FAC] =	sst s2  }
0xb: {  	[smem:$0x3FAD] =	sst s3  }
0xc: {  	[smem:$0x3FAE] =	sst s4  }
0xd: {  	[smem:$0x3FAF] =	sst s5  }
0xe: {  	[smem:$0x3FB0] =	sst s6  }
0xf: {  	[smem:$0x3FB1] =	sst s7  }
0x10: {  	[smem:$0x3FB2] =	sst s8  }
0x11: {  	[smem:$0x3FB3] =	sst s9;
	s0 =	simm.s32 @!p0 $0x0  }
0x12: {  	s1 =	sld [smem:$0x3F99];
	s0 =	simm.s32 @p0 $0x1  }
0x13: {  	[smem:$0x3FB4] =	sst s0;
	s0 =	simm.s32 @!p1 $0x0  }
0x14: {  	s2 =	sld [smem:$0x3F98];
	s0 =	simm.s32 @p1 $0x1  }
0x15: {  	[smem:$0x3FB5] =	sst s0;
	s0 =	simm.s32 @!p2 $0x0  }
0x16: {  	s3 =	sld [smem:$0x3FDB];
	s0 =	simm.s32 @p2 $0x1  }
0x17: {  	s4 =	simm.s32 $0x1BF5;
	[smem:$0x3FB7] =	sst s0  }
0x18: {  	s0 =	sld [smem:$0x3F9A];
	_ =	swait.ge [sflag:s4], $0x0  }
0x19: {  	s7 =	sld [smem:$0x3F9B]  }
0x1a: {  	s8 =	sadd.s32 $0xFFFFE003, lr  }
0x1b: {  	s9 =	sadd.s32 $0xFFFFFEF7, lr;
	s5 =	simm.s32 $0xFFFFFFFF;
	p2 =	slt.u32 s8, $0xFFFFF086  }
0x1c: {  	p1 =	slt.u32 s9, $0xF7A;
	s5 =	simm.s32 @!p2 $0x0  }
0x1d: {  	s5 =	simm.s32 @p1 $0x1;
	p0 =	seq.s32 s7, s2  }
0x1e: {  	s7 =	smul.u32 @!p0 $0xF7A, s2;
	p2 =	seq.s32 @!p0 s5, $0x0  }
0x1f: {  	s9 =	smul.u32 $0xF7A, s1;
	s8 =	simm.s32 @!p0 $0x1BF5;
	p2 =	por !p2, p0  }
0x20: {  	[sflag:s8] =	ssyncset.s32 @!p0 $0xFFFFF086;
	s6 =	sadd.s32 @!p0 s3, s7;
	s7 =	simm.s32 @!p0 $0x108  }
0x21: {  	s3 =	sadd.s32 s3, s9;
	s6 =	sadd.s32 @!p0 $0x88, s6;
	s7 =	simm.s32 @p2 $0x1082  }
0x22: {  	[simem:s7], [sflag:s8] =	dma.local @!p0 [hbm:s6], $0xF7A  }
0x23: {  	s9 =	sor.u32 $0xD0000000, s2;
	s6 =	simm.s32 $0x108;
	_ =	swait.ge @!p0 [sflag:s8], $0x0  }
0x24: {  	s3 =	sadd.s32 $0x88, s3;
	s6 =	simm.s32 @!p1 $0x1082;
	[sflag:s4] =	ssyncset.s32 $0xFFFFF086  }
0x25: {  	[simem:s6], [sflag:s4] =	dma.local [hbm:s3], $0xF7A  }
0x26: {  	[smem:$0x3F9B] =	sst s1;
	(tag) =	ssettag s2;
	_ =	strace s9  }
0x27: {  	s1 =	sld [smem:$0x3FAB]  }
0x28: {  	s2 =	sld [smem:$0x3FAC]  }
0x29: {  	s4 =	sld [smem:$0x3FAE]  }
0x2a: {  	p0 =	seq.s32 s5, $0x0;
	s5 =	sld [smem:$0x3FAF]  }
0x2b: {  	s6 =	sld [smem:$0x3FB0]  }
0x2c: {  	s7 =	sld [smem:$0x3FB1]  }
0x2d: {  	s3 =	simm.s32 $0x108;
	s8 =	sld [smem:$0x3FB2]  }
0x2e: {  	s3 =	simm.s32 @!p0 $0x1082;
	s9 =	sld [smem:$0x3FB3]  }
0x2f: {  	lr =	sadd.s32 s0, s3;
	s0 =	sld [smem:$0x3FAA]  }
0x30: {  	s3 =	sld [smem:$0x3FAD]  }
0x31: {  	[smem:$0x3FB6] =	sst s10  }
0x32: {  	s10 =	sld [smem:$0x3FB4];
	_ =	sdelay $0x3  }
0x33: {  	p0 =	seq.s32 s10, $0x1;
	s10 =	sld [smem:$0x3FB6];
	_ =	sdelay $0x3  }
0x34: {  	[smem:$0x3FB6] =	sst s10  }
0x35: {  	s10 =	sld [smem:$0x3FB5];
	_ =	sdelay $0x3  }
0x36: {  	p1 =	seq.s32 s10, $0x1;
	s10 =	sld [smem:$0x3FB6];
	_ =	sdelay $0x3  }
0x37: {  	[smem:$0x3FB6] =	sst s10  }
0x38: {  	s10 =	sld [smem:$0x3FB7]  }
0x39: {  	_ = 	snop;
	(pc) =	sbr.ind lr, $3  }
0x3a: {  	_ = 	snop  }
0x3b: {  	_ = 	snop  }
0x3c: {  	p2 =	seq.s32 s10, $0x1;
	s10 =	sld [smem:$0x3FB6]  }
0x3d: {  	_ =	shalt  }
0x3e: {  	_ =	shalt  }
0x3f: {  	_ =	shalt  }
0x40: {  	_ =	shalt  }
0x41: {  	_ =	shalt  }
0x42: {  	_ =	shalt  }
0x43: {  	_ =	shalt  }
0x44: {  	_ =	shalt  }
0x45: {  	_ =	shalt  }
0x46: {  	_ =	shalt  }
0x47: {  	_ =	shalt  }
0x48: {  	_ =	shalt  }
0x49: {  	_ =	shalt  }
0x4a: {  	_ =	shalt  }
0x4b: {  	_ =	shalt  }
0x4c: {  	_ =	shalt  }
0x4d: {  	_ =	shalt  }
0x4e: {  	_ =	shalt  }
0x4f: {  	_ =	shalt  }
0x50: {  	_ =	shalt  }
0x51: {  	_ =	shalt  }
0x52: {  	_ =	shalt  }
0x53: {  	_ =	shalt  }
0x54: {  	_ =	shalt  }
0x55: {  	_ =	shalt  }
0x56: {  	_ =	shalt  }
0x57: {  	_ =	shalt  }
0x58: {  	_ =	shalt  }
0x59: {  	_ =	shalt  }
0x5a: {  	_ =	shalt  }
0x5b: {  	_ =	shalt  }
0x5c: {  	_ =	shalt  }
0x5d: {  	_ =	shalt  }
0x5e: {  	_ =	shalt  }
0x5f: {  	_ =	shalt  }
0x60: {  	_ =	shalt  }
0x61: {  	_ =	shalt  }
0x62: {  	_ =	shalt  }
0x63: {  	_ =	shalt  }
0x64: {  	_ =	shalt  }
0x65: {  	_ =	shalt  }
0x66: {  	_ =	shalt  }
0x67: {  	_ =	shalt  }
0x68: {  	_ =	shalt  }
0x69: {  	_ =	shalt  }
0x6a: {  	_ =	shalt  }
0x6b: {  	_ =	shalt  }
0x6c: {  	_ =	shalt  }
0x6d: {  	_ =	shalt  }
0x6e: {  	_ =	shalt  }
0x6f: {  	_ =	shalt  }
0x70: {  	_ =	shalt  }
0x71: {  	_ =	shalt  }
0x72: {  	_ =	shalt  }
0x73: {  	_ =	shalt  }
0x74: {  	_ =	shalt  }
0x75: {  	_ =	shalt  }
0x76: {  	_ =	shalt  }
0x77: {  	_ =	shalt  }
0x78: {  	_ =	shalt  }
0x79: {  	_ =	shalt  }
0x7a: {  	_ =	shalt  }
0x7b: {  	_ =	shalt  }
0x7c: {  	_ =	shalt  }
0x7d: {  	_ =	shalt  }
0x7e: {  	_ =	shalt  }
0x7f: {  	_ =	shalt  }
0x80: {  	_ =	shalt  }
0x81: {  	_ =	shalt  }
0x82: {  	_ =	shalt  }
0x83: {  	_ =	shalt  }
0x84: {  	_ =	shalt  }
0x85: {  	_ =	shalt  }
0x86: {  	_ =	shalt  }
0x87: {  	_ =	shalt  }
.Lfunc_end0:
.L_simem_size_0:
called_computation_lowered:
.L_overlay_start_0:
0x88: {  	s2 =	sld [smem:$0x3FD9]  }
0x89: {  	s3 =	sld [smem:$0x3FFE];
	_ =	sdelay $0x1  }
0x8a: {  	s1 =	srdreg.scid  }
0x8b: {  	s0 =	sand.u32 $0x1, s1  }
0x8c: {  	s16 =	sshll.u32 s0, $0xA;
	s2 =	sadd.s32 s3, s2  }
0x8d: {  	s2 =	sadd.s32 s2, s16  }
0x8e: {  	[smem:$0x3FC2] =	sst s2  }
0x8f: {  	_ = 	snop  }
0x90: {  	(tm) =	ssettm $0x1  }
0x91: {  	s17 =	sld [smem:$0x3FFB];
	_ =	sdelay $0x3  }
0x92: {  	_ =	strace s17  }
0x93: {  	s2 =	sld [smem:$0x3FFC];
	_ =	sdelay $0x3  }
0x94: {  	_ =	strace s2  }
0x95: {  	s2 =	sld [smem:$0x3FFD];
	_ =	sdelay $0x3  }
0x96: {  	_ =	strace s2  }
0x97: {  	_ =	strace $0x8FFFFFFF  }
0x98: {  	s18 =	sld [smem:$0x3FDB];
	_ =	sdelay $0x1  }
0x99: {  	s19 =	simm.s32 $_scs_section_size  }
0x9a: {  	s4 =	simm.s32 $_size__tile_overlayer_lowered;
	s5 =	simm.s32 $_tile_overlayer_lowered  }
0x9b: {  	s22 =	simm.s32 $0x1BFF;
	s21 =	sshll.u32 s5, $0x1;
	s2 =	sadd.s32 s19, s18  }
0x9c: {  	s6 =	simm.s32 $0x0;
	s20 =	sshll.u32 s4, $0x1;
	s4 =	sadd.s32 s21, s2  }
0x9d: {  	[timem:s6], [sflag:s22] =	dma.local [hbm:s4], s20  }
0x9e: {  	_ =	swait.ge [sflag:s22], s20  }
0x9f: {  	s3 =	ssub.s32 $0x0, s20;
	[sflag:s22] =	ssyncset.done $0x0  }
0xa0: {  	[sflag:s22] =	ssyncadd.s32 s3;
	_ =	sdelay $0x1  }
0xa1: {  	s23 =	simm.s32 $0x1B8B  }
0xa2: {  	_ =	swait.ge [sflag:s23], $0x1  }
0xa3: {  	[sflag:s23] =	ssyncset.done $0x0  }
0xa4: {  	s25 =	simm.s32 $0x1B8E;
	s24 =	sld [smem:$0x3FFE];
	[sflag:s23] =	ssyncadd.s32 $0xFFFFFFFF  }
0xa5: {  	s26 =	simm.s32 $execute0_lowered;
	[smem:$0x3FD2] =	sst s25  }
0xa6: {  	s4 =	sshll.u32 s26, $0x1;
	_ =	strace $0x80000046;
	[dreg:$0x1] =	wrdreg $0xFFFFFFFF  }
0xa7: {  	s28 =	simm.s32 $_size_execute0_lowered;
	s2 =	sadd.s32 s2, s4;
	[dreg:$0x0] =	wrdreg $0x0  }
0xa8: {  	s4 =	sshll.u32 s28, $0x1;
	[dreg:$0x2] =	wrdreg s2  }
0xa9: {  	[dreg:$0x3] =	wrdreg s4  }
0xaa: {  	[dreg:$0x4] =	wrdreg $0xC0  }
0xab: {  	_ =	task [dreg:s6], $0x5FFFF  }
0xac: {  	[dreg:$0x1] =	wrdreg $0xFFFFFFFF  }
0xad: {  	[dreg:$0x0] =	wrdreg $0x60  }
0xae: {  	[dreg:$0x2] =	wrdreg s24  }
0xaf: {  	[dreg:$0x3] =	wrdreg $0x54000  }
0xb0: {  	[dreg:$0x4] =	wrdreg $0x9  }
0xb1: {  	_ =	task.clear_ibuf [dreg:s6], $0x5FFFF;
	_ =	strace $0x90000046  }
0xb2: {  	s29 =	simm.s32 $0x9;
	_ =	strace $0x80000048  }
0xb3: {  	_ =	swait.ge [sflag:s29], $0x1  }
0xb4: {  	[sflag:s29] =	ssyncadd.s32 $0xFFFFFFFF  }
0xb5: {  	_ =	strace $0x90000048  }
0xb6: {  	_ =	sfence  }
0xb7: {  	s30 =	sld [smem:$0x0];
	_ =	sdelay $0x2  }
0xb8: {  	s31 =	sshll.u32 s1, $0xD;
	s1 =	sshrl.u32 s1, $0x2  }
0xb9: {  	s3 =	sand.u32 $0x4000, s31;
	s1 =	sadd.s32 s1, s30  }
0xba: {  	s0 =	sor.u32 s3, s0;
	s1 =	sshll.u32 s1, $0x11  }
0xbb: {  	s0 =	sor.u32 s1, s0  }
0xbc: {  	s0 =	sadd.s32 $0x8F2B, s0  }
0xbd: {  	[sflag:s0] =	ssyncadd.remote.s32 $0x1  }
0xbe: {  	_ =	sfence.sel $0xFFFF  }
0xbf: {  	[dreg:$0x0] =	wrdreg $0xFFFFFFFF;
	(pc) =	sbr.abs _section_cstart, $3  }
0xc0: {  	[dreg:$0x1] =	wrdreg $0xFFFFFFFF  }
0xc1: {  	_ =	task.clear_ibuf [dreg:s6], $0x2FFFF;
	_ =	strace $0x9FFFFFFF  }
0xc2: {  	(tm) =	ssettm $0x7FFFFFFF  }
0xc3: {  	_ =	shalt  }
tec
execute0_lowered:
.L_overlay_start_1:
0x0: {  	(tag) =	ssettag $0x1  }
0x1: {  	s6 =	rddreg [dreg:$0x0]  }
0x2: {  	s0 =	srdreg.scid;
	s2 =	rddreg [dreg:$0x1]  }
0x3: {  	s1 =	rddreg [dreg:$0x2];
	s7 =	sand.u32 $0x1, s0  }
0x4: {  	s0 =	stileid.u32;
	s4 =	smul.u32 $0x14000, s7  }
0x5: {  	s3 =	simm.s32 $0x0;
	s13 =	simm.s32 $0x80;
	s5 =	smul.u32 $0x1400, s0  }
0x6: {  	s14 =	simm.s32 $0x0;
	[smem:$0x7FF] =	sst s3;
	s29 =	smul.u32 $0x140000, s7  }
0x7: {  	s8 =	smul.u32 $0x14000, s0;
	_ =	strace $0x80000047;
	s7 =	ssub.s32 $0x2, s7  }
0x8: {  	s10 =	smul.u32 $0x50000, s0;
	s31 =	sshll.u32 s0, $0x6;
	s30 =	sshrl.u32 s7, $0x1  }
0x9: {  	s4 =	sadd.s32 s5, s4;
	s8 =	sadd.s32 s8, s29;
	s5 =	sadd.s32 $0xA800, s6  }
0xa: {  	s10 =	sshrl.u32 s10, $0x2;
	s11 =	ssub.s32 s7, s30;
	s4 =	sshrl.u32 s4, $0x3  }
0xb: {  	s8 =	sshrl.u32 s8, $0x3;
	s12 =	sadd.s32 s10, s2;
	s10 =	simm.s32 $0x1400  }
0xc: {  	s9 =	sadd.s32 s4, s6;
	s4 =	sadd.s32 $0x8000, s6;
	s8 =	sadd.s32 s8, s6  }
0xd: {  	s12 =	sshrl.u32 s12, $0x3;
	s6 =	sadd.s32 $0x3000, s9;
	s7 =	sadd.s32 $0xB000, s8  }
0xe: {  	s8 =	smax.u32 s11, $0x1;
	s9 =	simm.s32 $0x1;
	s11 =	sor.u32 $0x1C01, s31  }
.LBB2_1:
0xf: {  	[tilespmem:s3], [sflag:$0x1] =	stream.linear.gather [hbm4b:s6+s3], $0x1400, $0x38;
	[tilespmem:$0x19400] =	vst v63  }
0x10: {  	_ =	swait.ge [sflag:s9], $0x1400  }
0x11: {  	[sflag:s9] =	ssyncset.done $0x0  }
0x12: {  	[sflag:s9] =	ssyncadd.s32 $0xFFFFEC00  }
0x13: {  	[tilespmem:s10], [sflag:$0x1] =	stream.linear.gather [hbm4b:s5+s3], $0x4000, $0x38;
	[tilespmem:$0x19400] =	vst v63  }
0x14: {  	_ =	swait.ge [sflag:s9], $0x4000  }
0x15: {  	[sflag:s9] =	ssyncset.done $0x0  }
0x16: {  	[sflag:s9] =	ssyncadd.s32 $0xFFFFC000  }
0x17: {  	[spmem:s12], [sflag:s11] =	dma.local [hbm:s4], $0x2800  }
0x18: {  	_ =	swait.ge [sflag:s9], $0x2800  }
0x19: {  	[sflag:s9] =	ssyncset.done $0x0  }
0x1a: {  	[sflag:s9] =	ssyncadd.s32 $0xFFFFD800  }
0x1b: {  	s15 =	simm.s32 $0x0;
	[bflag:$0x0] =	sbarrier.arrive $0xFFFF  }
0x1c: {  	[spmem:s2] =	stream.indirect.scatter.add.f32 [tilespmem:s10], [sflag:$0x1], $0x80, s15, s13, $0xb8;
	[tilespmem:$0x19400] =	vst v63  }
0x1d: {  	_ =	swait.ge [sflag:s9], $0x4000  }
0x1e: {  	s15 =	simm.s32 $0x200;
	[sflag:s9] =	ssyncset.done $0x0  }
.LBB2_2:
0x1f: {  	s16 =	sshra.s32 s15, $0x2;
	[sflag:s9] =	ssyncadd.s32 $0xFFFFC000;
	p0 =	sne.s32 s15, $0x4E00  }
0x20: {  	[spmem:s2] =	stream.indirect.scatter.add.f32 [tilespmem:s10], [sflag:$0x1], $0x80, s16, s13, $0xb8;
	[tilespmem:$0x19400] =	vst v63  }
.Ltmp0:
0x21: {  	_ = 	snop;
	(pc) =	sbr.rel @p0 .LBB2_2-.Ltmp0, $4  }
0x22: {  	_ = 	snop  }
0x23: {  	s15 =	sadd.s32 $0x200, s15  }
0x24: {  	_ =	swait.ge [sflag:s9], $0x4000  }
0x25: {  	[sflag:s9] =	ssyncset.done $0x0  }
0x26: {  	s14 =	sadd.s32 $0x1, s14  }
0x27: {  	[sflag:s9] =	ssyncadd.s32 $0xFFFFC000;
	p0 =	sne.s32 s14, s8  }
.Ltmp1:
0x28: {  	[bflag:$0x0] =	sbarrier.arrive $0xFFFF;
	(pc) =	sbr.rel @p0 .LBB2_1-.Ltmp1, $4  }
0x29: {  	[hbm:s7], [sflag:s11] =	dma.local [spmem:s12], $0x2800  }
0x2a: {  	_ =	swait.ge [sflag:s9], $0x2800  }
0x2b: {  	[sflag:s9] =	ssyncset.done $0x0  }
0x2c: {  	[sflag:s9] =	ssyncadd.s32 $0xFFFFD800  }
0x2d: {  	_ =	sfence.sel $0x180000  }
0x2e: {  	[bflag:$0x0] =	sbarrier.arrive $0xFFFF  }
0x2f: {  	p0 =	sne.s32 s0, $0x0;
	_ =	strace $0x90000047  }
0x30: {  	s0 =	sadd.s32 @!p0 $0x100000, s1;
	[bflag:$0x2] =	sbarrier.arrive $0xFFFF  }
0x31: {  	[sflag:s0] =	ssyncadd.tile.s32 @!p0 $0x1;
	_ =	shalt  }
.Lfunc_end2:
_tile_overlayer_lowered:
.L_overlay_start_2:
0x32: {  	(tag) =	ssettag $0x2  }
0x33: {  	s0 =	rddreg [dreg:$0x0];
	s2 =	stileid.u32  }
0x34: {  	s1 =	rddreg [dreg:$0x1];
	p0 =	sne.s32 s2, $0x0  }
0x35: {  	s3 =	rddreg [dreg:$0x2];
	[bflag:$0x3] =	sbarrier.arrive $0xFFFF;
	s2 =	simm.s32 @!p0 $0x1C01  }
0x36: {  	[timem:s3], [sflag:s2] =	dma.local @!p0 [hbm:s0], s1  }
0x37: {  	s0 =	simm.s32 @!p0 $0x1  }
0x38: {  	_ =	swait.ge @!p0 [sflag:s0], s1  }
0x39: {  	s1 =	ssub.s32 @!p0 $0x0, s1;
	[sflag:s0] =	ssyncset.done @!p0 $0x0  }
0x3a: {  	[sflag:s0] =	ssyncadd.s32 @!p0 s1  }
0x3b: {  	[bflag:$0x3] =	sbarrier.arrive $0xFFFF  }
0x3c: {  	_ =	shalt  }

</sc_bundles>
